<compile_context>
chip_gen: v7x
topology: tpu7x:2x2x1
jax: 0.10.2.dev20260603
libtpu: 0.0.44.dev20260713+nightly
codegen_flags: <defaults>
</compile_context>

<pallas_src>
import functools

import jax
import jax.numpy as jnp
from jax import lax
from jax.experimental import pallas as pl
from jax.experimental.pallas import tpu as pltpu
from jax.experimental.pallas import tpu_sc as plsc

_N = 10000
_F = 128
_NC = 2
_NS = 16
_NW = _NC * _NS
_CHUNK = 128
_NPAD = 10240
_RPT = _NPAD // _NS


def _mesh():
    return plsc.VectorSubcoreMesh(
        core_axis_name="c", subcore_axis_name="s",
        num_cores=_NC, num_subcores=_NS)


def _sc_scatter(table, edges_p, zeros2d):
    nit = edges_p[1].shape[0] // (_NW * _CHUNK)

    def body(table_h, idx2_h, zeros_h, out_h, idx_v, rows_v, gsem, acc_s):
        cid = lax.axis_index("c")
        sid = lax.axis_index("s")
        r0 = sid * _RPT
        pltpu.sync_copy(zeros_h.at[pl.ds(r0, _RPT), :], acc_s.at[pl.ds(r0, _RPT), :])
        plsc.subcore_barrier()
        cbase = (cid * _NS + sid) * nit

        def it(i, carry):
            pltpu.sync_copy(idx2_h.at[pl.ds(2 * (cbase + i), 2), :], idx_v)
            pltpu.async_copy(table_h.at[idx_v.at[0]], rows_v, gsem).wait()
            pltpu.sync_copy(rows_v, acc_s.at[idx_v.at[1]], add=True)
            return carry

        lax.fori_loop(0, nit, it, 0)
        plsc.subcore_barrier()
        pltpu.sync_copy(acc_s.at[pl.ds(r0, _RPT), :],
                        out_h.at[cid, pl.ds(r0, _RPT), :])

    return pl.kernel(
        body,
        out_type=jax.ShapeDtypeStruct((_NC, _NPAD, _F), jnp.float32),
        mesh=_mesh(),
        scratch_types=[
            pltpu.VMEM((2, _CHUNK), jnp.int32),
            pltpu.VMEM((_CHUNK, _F), jnp.float32),
            pltpu.SemaphoreType.DMA,
            pltpu.VMEM_SHARED((_NPAD, _F), jnp.float32),
        ],
    )(table, edges_p[0], zeros2d)


def _sc_degree(edges_p, zeros1d):
    nit = edges_p[1].shape[0] // (_NW * _CHUNK)

    def body(dst_h, zeros_h, out_h, dst_v, ones_v, acc_s):
        cid = lax.axis_index("c")
        sid = lax.axis_index("s")
        r0 = sid * _RPT
        pltpu.sync_copy(zeros_h.at[pl.ds(r0, _RPT)], acc_s.at[pl.ds(r0, _RPT)])
        for j in range(_CHUNK // 16):
            ones_v[pl.ds(j * 16, 16)] = jnp.ones((16,), jnp.float32)
        plsc.subcore_barrier()
        ebase = (cid * _NS + sid) * nit * _CHUNK

        def it(i, carry):
            b = pl.multiple_of(ebase + i * _CHUNK, 8)
            pltpu.sync_copy(dst_h.at[pl.ds(b, _CHUNK)], dst_v)
            pltpu.sync_copy(ones_v, acc_s.at[dst_v], add=True)
            return carry

        lax.fori_loop(0, nit, it, 0)
        plsc.subcore_barrier()
        pltpu.sync_copy(acc_s.at[pl.ds(r0, _RPT)], out_h.at[cid, pl.ds(r0, _RPT)])

    return pl.kernel(
        body,
        out_type=jax.ShapeDtypeStruct((_NC, _NPAD), jnp.float32),
        mesh=_mesh(),
        scratch_types=[
            pltpu.VMEM((_CHUNK,), jnp.int32),
            pltpu.VMEM((_CHUNK,), jnp.float32),
            pltpu.VMEM_SHARED((_NPAD,), jnp.float32),
        ],
    )(edges_p[1], zeros1d)


_R = 1000


def _dinv_of(degp_blk):
    deg = degp_blk[:, 0] + degp_blk[:, 1] + 1.0
    return lax.rsqrt(deg)[:, None]


def _tc_prescale(degp_t, x):
    def body(degp_ref, x_ref, o_ref):
        o_ref[...] = _dinv_of(degp_ref[...]) * x_ref[...]

    return pl.pallas_call(
        body,
        grid=(_N // _R,),
        in_specs=[
            pl.BlockSpec((_R, _NC), lambda i: (i, 0)),
            pl.BlockSpec((_R, _F), lambda i: (i, 0)),
        ],
        out_specs=pl.BlockSpec((_R, _F), lambda i: (i, 0)),
        out_shape=jax.ShapeDtypeStruct((_N, _F), jnp.float32),
    )(degp_t, x)


def _tc_layer1(degp_t, s1, xs, W1, b1):
    def body(degp_ref, s1_ref, xs_ref, w_ref, b_ref, oa_ref, ob_ref):
        dinv = _dinv_of(degp_ref[...])
        u = dinv * (s1_ref[0] + s1_ref[1] + xs_ref[...])
        h = jnp.dot(u, w_ref[...], preferred_element_type=jnp.float32) + b_ref[...]
        hs = dinv * jnp.maximum(h, 0.0)
        oa_ref[...] = hs[:, :_F]
        ob_ref[...] = hs[:, _F:]

    return pl.pallas_call(
        body,
        grid=(_N // _R,),
        in_specs=[
            pl.BlockSpec((_R, _NC), lambda i: (i, 0)),
            pl.BlockSpec((_NC, _R, _F), lambda i: (0, i, 0)),
            pl.BlockSpec((_R, _F), lambda i: (i, 0)),
            pl.BlockSpec((_F, 2 * _F), lambda i: (0, 0)),
            pl.BlockSpec((1, 2 * _F), lambda i: (0, 0)),
        ],
        out_specs=[
            pl.BlockSpec((_R, _F), lambda i: (i, 0)),
            pl.BlockSpec((_R, _F), lambda i: (i, 0)),
        ],
        out_shape=[
            jax.ShapeDtypeStruct((_N, _F), jnp.float32),
            jax.ShapeDtypeStruct((_N, _F), jnp.float32),
        ],
    )(degp_t, s1, xs, W1, b1)


def _tc_layer2(degp_t, s2a, s2b, h1a, h1b, W2, b2, W3):
    def body(degp_ref, sa_ref, sb_ref, ha_ref, hb_ref, w2_ref, b2_ref, w3_ref, o_ref):
        dinv = _dinv_of(degp_ref[...])
        ua = dinv * (sa_ref[0] + sa_ref[1] + ha_ref[...])
        ub = dinv * (sb_ref[0] + sb_ref[1] + hb_ref[...])
        h2 = (jnp.dot(ua, w2_ref[:_F, :], preferred_element_type=jnp.float32)
              + jnp.dot(ub, w2_ref[_F:, :], preferred_element_type=jnp.float32)
              + b2_ref[...])
        h2 = jnp.maximum(h2, 0.0)
        g = jnp.dot(h2, w3_ref[...], preferred_element_type=jnp.float32)
        o_ref[...] = dinv * g

    return pl.pallas_call(
        body,
        grid=(_N // _R,),
        in_specs=[
            pl.BlockSpec((_R, _NC), lambda i: (i, 0)),
            pl.BlockSpec((_NC, _R, _F), lambda i: (0, i, 0)),
            pl.BlockSpec((_NC, _R, _F), lambda i: (0, i, 0)),
            pl.BlockSpec((_R, _F), lambda i: (i, 0)),
            pl.BlockSpec((_R, _F), lambda i: (i, 0)),
            pl.BlockSpec((2 * _F, 2 * _F), lambda i: (0, 0)),
            pl.BlockSpec((1, 2 * _F), lambda i: (0, 0)),
            pl.BlockSpec((2 * _F, _F), lambda i: (0, 0)),
        ],
        out_specs=pl.BlockSpec((_R, _F), lambda i: (i, 0)),
        out_shape=jax.ShapeDtypeStruct((_N, _F), jnp.float32),
    )(degp_t, s2a, s2b, h1a, h1b, W2, b2, W3)


def _tc_layer3(degp_t, s3, gs, b3):
    def body(degp_ref, s3_ref, gs_ref, b_ref, o_ref):
        dinv = _dinv_of(degp_ref[...])
        o_ref[...] = dinv * (s3_ref[0] + s3_ref[1] + gs_ref[...]) + b_ref[...]

    return pl.pallas_call(
        body,
        grid=(_N // _R,),
        in_specs=[
            pl.BlockSpec((_R, _NC), lambda i: (i, 0)),
            pl.BlockSpec((_NC, _R, _F), lambda i: (0, i, 0)),
            pl.BlockSpec((_R, _F), lambda i: (i, 0)),
            pl.BlockSpec((1, _F), lambda i: (0, 0)),
        ],
        out_specs=pl.BlockSpec((_R, _F), lambda i: (i, 0)),
        out_shape=jax.ShapeDtypeStruct((_N, _F), jnp.float32),
    )(degp_t, s3, gs, b3)


def kernel(x, edge_index, W1, b1, W2, b2, W3, b3):
    E = edge_index.shape[1]
    grain = _NW * _CHUNK
    epad = ((E + grain - 1) // grain) * grain
    src = edge_index[0]
    dst = edge_index[1]
    if epad != E:
        pad = epad - E
        src = jnp.concatenate([src, jnp.zeros((pad,), jnp.int32)])
        dst = jnp.concatenate([dst, jnp.full((pad,), _N, jnp.int32)])
    nch = epad // _CHUNK
    idx2 = jnp.stack([src.reshape(nch, _CHUNK), dst.reshape(nch, _CHUNK)],
                     axis=1).reshape(2 * nch, _CHUNK)
    edges_p = (idx2, dst)
    zeros2d = jnp.zeros((_NPAD, _F), jnp.float32)
    zeros1d = jnp.zeros((_NPAD,), jnp.float32)

    degp = _sc_degree(edges_p, zeros1d)
    degp_t = degp[:, :_N].T
    xs = _tc_prescale(degp_t, x)
    s1 = _sc_scatter(xs, edges_p, zeros2d)
    h1a, h1b = _tc_layer1(degp_t, s1, xs, W1, b1.reshape(1, -1))
    s2a = _sc_scatter(h1a, edges_p, zeros2d)
    s2b = _sc_scatter(h1b, edges_p, zeros2d)
    gs = _tc_layer2(degp_t, s2a, s2b, h1a, h1b, W2, b2.reshape(1, -1), W3)
    s3 = _sc_scatter(gs, edges_p, zeros2d)
    return _tc_layer3(degp_t, s3, gs, b3.reshape(1, -1))

# --- scband reference (transcript-rebuilt; emitter-appended) ---
"""Pipeline reference for scband-three-layer-gcn-3728031613395 (READ-ONLY COPY).

The authoritative reference and input builder live on the scoring server;
editing this copy changes nothing except your own understanding.
"""

import jax, jax.numpy as jnp
import numpy as np

N = 10000
E = 320000
D_IN = 128
H1 = 256
H2 = 256
D_OUT = 128


def _glorot(key, shape):
    fan_in, fan_out = shape[0], shape[1]
    limit = np.sqrt(6.0 / (fan_in + fan_out))
    return jax.random.uniform(key, shape, dtype=jnp.float32, minval=-limit, maxval=limit)


def setup_inputs(seed: int = 0) -> dict:
    key = jax.random.key(seed)
    ks = jax.random.split(key, 8)
    x = jax.random.normal(ks[0], (N, D_IN), dtype=jnp.float32)
    edge_index = jax.random.randint(ks[1], (2, E), 0, N, dtype=jnp.int32)
    W1 = _glorot(ks[2], (D_IN, H1))
    b1 = jnp.zeros((H1,), dtype=jnp.float32)
    W2 = _glorot(ks[3], (H1, H2))
    b2 = jnp.zeros((H2,), dtype=jnp.float32)
    W3 = _glorot(ks[4], (H2, D_OUT))
    b3 = jnp.zeros((D_OUT,), dtype=jnp.float32)
    return {"x": x, "edge_index": edge_index, "W1": W1, "b1": b1, "W2": W2, "b2": b2, "W3": W3, "b3": b3}


def _gcn_conv(x, src, dst, W, b, n):
    # GCNConv (PyG semantics): linear transform, add self-loops,
    # symmetric normalization D^{-1/2} A_hat D^{-1/2}, scatter-add aggregation, bias.
    h = x @ W
    loop = jnp.arange(n, dtype=src.dtype)
    src_l = jnp.concatenate([src, loop])
    dst_l = jnp.concatenate([dst, loop])
    deg = jnp.zeros((n,), dtype=h.dtype).at[dst_l].add(1.0)
    dinv = jax.lax.rsqrt(jnp.maximum(deg, 1.0))
    norm = dinv[src_l] * dinv[dst_l]
    msgs = h[src_l] * norm[:, None]
    out = jnp.zeros((n, h.shape[1]), dtype=h.dtype).at[dst_l].add(msgs)
    return out + b


def reference(x, edge_index, W1, b1, W2, b2, W3, b3):
    src = edge_index[0]
    dst = edge_index[1]
    h = _gcn_conv(x, src, dst, W1, b1, N)
    h = jax.nn.relu(h)
    h = _gcn_conv(h, src, dst, W2, b2, N)
    h = jax.nn.relu(h)
    out = _gcn_conv(h, src, dst, W3, b3, N)
    return out

if __name__ == "__main__":
    import jax
    _d = setup_inputs()
    print(jax.jit(kernel)(*tuple(_d.values())))

</pallas_src>

<mosaic_0001>
#map = affine_map<(d0, d1) -> (0, 0)>
#map1 = affine_map<(d0, d1) -> (0, 0, 0)>
module attributes {stable_mosaic.version = 14 : i64} {
  func.func @body(%arg0: i32, %arg1: i32, %arg2: memref<10000x128xf32, #tpu.memory_space<hbm>>, %arg3: memref<5056x128xi32, #tpu.memory_space<hbm>>, %arg4: memref<10240x128xf32, #tpu.memory_space<hbm>>, %arg5: memref<2x10240x128xf32, #tpu.memory_space<hbm>>, %arg6: memref<2x128xi32, #tpu.memory_space<vmem>>, %arg7: memref<128x128xf32, #tpu.memory_space<vmem>>, %arg8: memref<!tpu.dma_semaphore, #tpu.memory_space<semaphore_mem>>, %arg9: memref<10240x128xf32, #tpu.memory_space<vmem_shared>>) attributes {dimension_semantics = [#tpu.dimension_semantics<core_parallel>, #tpu.dimension_semantics<subcore_parallel>], iteration_bounds = array<i64: 2, 16>, scalar_prefetch = 0 : i64, scratch_operands = 4 : i64, tpu.core_type = #tpu.core_type<sc_vector_subcore>, window_params = [{transform_indices = #map}, {transform_indices = #map}, {transform_indices = #map}, {transform_indices = #map1}]} {
    %mul3A = arith.constant 640 : i32
    %mul3A_0 = arith.muli %arg1, %mul3A : i32
    "tpu.region"() ({
      %run_scoped3A = tpu.sem_alloc : memref<!tpu.dma_semaphore, #tpu.memory_space<semaphore_mem>>
      %dma_start3A = arith.constant 0 : i32
      %dma_start3A_11 = tpu.memref_slice %arg9[%mul3A_0, %dma_start3A] : memref<10240x128xf32, #tpu.memory_space<vmem_shared>> -> memref<640x128xf32, #tpu.memory_space<vmem_shared>>
      %dma_start3A_12 = arith.constant 0 : i32
      %dma_start3A_13 = tpu.memref_slice %arg4[%mul3A_0, %dma_start3A_12] : memref<10240x128xf32, #tpu.memory_space<hbm>> -> memref<640x128xf32, #tpu.memory_space<hbm>>
      tpu.enqueue_dma source(%dma_start3A_13 : memref<640x128xf32, #tpu.memory_space<hbm>>) target(%dma_start3A_11 : memref<640x128xf32, #tpu.memory_space<vmem_shared>>) target_semaphore(%run_scoped3A : memref<!tpu.dma_semaphore, #tpu.memory_space<semaphore_mem>>)
      %dma_wait3A = arith.constant 0 : i32
      %dma_wait3A_14 = tpu.memref_slice %arg9[%mul3A_0, %dma_wait3A] : memref<10240x128xf32, #tpu.memory_space<vmem_shared>> -> memref<640x128xf32, #tpu.memory_space<vmem_shared>>
      %dma_wait3A_15 = arith.constant 0 : i32
      %dma_wait3A_16 = tpu.memref_slice %arg4[%mul3A_0, %dma_wait3A_15] : memref<10240x128xf32, #tpu.memory_space<hbm>> -> memref<640x128xf32, #tpu.memory_space<hbm>>
      tpu.wait_dma2 semaphore(%run_scoped3A : memref<!tpu.dma_semaphore, #tpu.memory_space<semaphore_mem>>) src(%dma_wait3A_16 : memref<640x128xf32, #tpu.memory_space<hbm>>) dst(%dma_wait3A_14 : memref<640x128xf32, #tpu.memory_space<vmem_shared>>)
      tpu.yield
    }) : () -> ()
    %barrier3A = arith.constant 0 : index
    tpu.barrier barrier_id(%barrier3A)
    %mul3A_1 = arith.constant 16 : i32
    %mul3A_2 = arith.muli %arg0, %mul3A_1 : i32
    %add3A = arith.addi %mul3A_2, %arg1 : i32
    %mul3A_3 = arith.constant 79 : i32
    %mul3A_4 = arith.muli %add3A, %mul3A_3 : i32
    %scan3A = arith.constant 0 : i32
    %scan3A_5 = arith.constant 0 : i32
    %scan3A_6 = arith.constant 79 : i32
    %scan3A_7 = arith.addi %scan3A_5, %scan3A_6 : i32
    %scan3A_8 = arith.constant 1 : i32
    scf.for %scan3A_11 = %scan3A_5 to %scan3A_7 step %scan3A_8  : i32 {
      %add3A_12 = arith.addi %mul3A_4, %scan3A_11 : i32
      %mul3A_13 = arith.constant 2 : i32
      %mul3A_14 = arith.muli %mul3A_13, %add3A_12 : i32
      "tpu.region"() ({
        %run_scoped3A_27 = tpu.sem_alloc : memref<!tpu.dma_semaphore, #tpu.memory_space<semaphore_mem>>
        %dma_start3A_28 = arith.constant 0 : i32
        %dma_start3A_29 = tpu.memref_slice %arg3[%mul3A_14, %dma_start3A_28] : memref<5056x128xi32, #tpu.memory_space<hbm>> -> memref<2x128xi32, #tpu.memory_space<hbm>>
        %dma_start3A_30 = arith.constant 0 : i32
        %dma_start3A_31 = tpu.memref_slice %arg3[%mul3A_14, %dma_start3A_30] : memref<5056x128xi32, #tpu.memory_space<hbm>> -> memref<2x128xi32, #tpu.memory_space<hbm>>
        tpu.enqueue_dma source(%dma_start3A_31 : memref<2x128xi32, #tpu.memory_space<hbm>>) target(%arg6 : memref<2x128xi32, #tpu.memory_space<vmem>>) target_semaphore(%run_scoped3A_27 : memref<!tpu.dma_semaphore, #tpu.memory_space<semaphore_mem>>)
        %dma_wait3A_32 = arith.constant 0 : i32
        %dma_wait3A_33 = tpu.memref_slice %arg3[%mul3A_14, %dma_wait3A_32] : memref<5056x128xi32, #tpu.memory_space<hbm>> -> memref<2x128xi32, #tpu.memory_space<hbm>>
        %dma_wait3A_34 = arith.constant 0 : i32
        %dma_wait3A_35 = tpu.memref_slice %arg3[%mul3A_14, %dma_wait3A_34] : memref<5056x128xi32, #tpu.memory_space<hbm>> -> memref<2x128xi32, #tpu.memory_space<hbm>>
        tpu.wait_dma2 semaphore(%run_scoped3A_27 : memref<!tpu.dma_semaphore, #tpu.memory_space<semaphore_mem>>) src(%dma_wait3A_35 : memref<2x128xi32, #tpu.memory_space<hbm>>) dst(%arg6 : memref<2x128xi32, #tpu.memory_space<vmem>>)
        tpu.yield
      }) : () -> ()
      %dma_start3A = arith.constant 0 : i32
      %dma_start3A_15 = arith.constant 0 : i32
      %dma_start3A_16 = tpu.memref_slice %arg6[%dma_start3A, %dma_start3A_15] : memref<2x128xi32, #tpu.memory_space<vmem>> -> memref<1x128xi32, #tpu.memory_space<vmem>>
      %dma_start3A_17 = tpu.memref_squeeze %dma_start3A_16 : memref<1x128xi32, #tpu.memory_space<vmem>> -> memref<128xi32, #tpu.memory_space<vmem>>
      %dma_start3A_18 = arith.constant 0 : i32
      %dma_start3A_19 = arith.constant 0 : i32
      %dma_start3A_20 = tpu.memref_slice %arg2[%dma_start3A_18, %dma_start3A_19] : memref<10000x128xf32, #tpu.memory_space<hbm>> -> memref<10000x128xf32, #tpu.memory_space<hbm>>
      tpu.enqueue_indirect_dma source(%dma_start3A_20 : memref<10000x128xf32, #tpu.memory_space<hbm>>) target(%arg7 : memref<128x128xf32, #tpu.memory_space<vmem>>) offsets(%dma_start3A_17 : memref<128xi32, #tpu.memory_space<vmem>>) semaphore(%arg8 : memref<!tpu.dma_semaphore, #tpu.memory_space<semaphore_mem>>)
      %dma_wait3A = arith.constant 0 : i32
      %dma_wait3A_21 = arith.constant 0 : i32
      %dma_wait3A_22 = tpu.memref_slice %arg6[%dma_wait3A, %dma_wait3A_21] : memref<2x128xi32, #tpu.memory_space<vmem>> -> memref<1x128xi32, #tpu.memory_space<vmem>>
      %dma_wait3A_23 = tpu.memref_squeeze %dma_wait3A_22 : memref<1x128xi32, #tpu.memory_space<vmem>> -> memref<128xi32, #tpu.memory_space<vmem>>
      %dma_wait3A_24 = arith.constant 0 : i32
      %dma_wait3A_25 = arith.constant 0 : i32
      %dma_wait3A_26 = tpu.memref_slice %arg2[%dma_wait3A_24, %dma_wait3A_25] : memref<10000x128xf32, #tpu.memory_space<hbm>> -> memref<10000x128xf32, #tpu.memory_space<hbm>>
      tpu.wait_indirect_dma semaphore(%arg8 : memref<!tpu.dma_semaphore, #tpu.memory_space<semaphore_mem>>) src(%dma_wait3A_26 : memref<10000x128xf32, #tpu.memory_space<hbm>>) dst(%arg7 : memref<128x128xf32, #tpu.memory_space<vmem>>)
      %run_scoped3A = arith.constant 1 : i32
      "tpu.region"() ({
        %run_scoped3A_27 = tpu.sem_alloc : memref<!tpu.dma_semaphore, #tpu.memory_space<semaphore_mem>>
        %dma_start3A_28 = arith.constant 0 : i32
        %dma_start3A_29 = tpu.memref_slice %arg6[%run_scoped3A, %dma_start3A_28] : memref<2x128xi32, #tpu.memory_space<vmem>> -> memref<1x128xi32, #tpu.memory_space<vmem>>
        %dma_start3A_30 = tpu.memref_squeeze %dma_start3A_29 : memref<1x128xi32, #tpu.memory_space<vmem>> -> memref<128xi32, #tpu.memory_space<vmem>>
        %dma_start3A_31 = arith.constant 0 : i32
        %dma_start3A_32 = arith.constant 0 : i32
        %dma_start3A_33 = tpu.memref_slice %arg9[%dma_start3A_31, %dma_start3A_32] : memref<10240x128xf32, #tpu.memory_space<vmem_shared>> -> memref<10240x128xf32, #tpu.memory_space<vmem_shared>>
        tpu.enqueue_indirect_dma source(%arg7 : memref<128x128xf32, #tpu.memory_space<vmem>>) target(%dma_start3A_33 : memref<10240x128xf32, #tpu.memory_space<vmem_shared>>) offsets(%dma_start3A_30 : memref<128xi32, #tpu.memory_space<vmem>>) semaphore(%run_scoped3A_27 : memref<!tpu.dma_semaphore, #tpu.memory_space<semaphore_mem>>) {add = true}
        %dma_wait3A_34 = arith.constant 0 : i32
        %dma_wait3A_35 = tpu.memref_slice %arg6[%run_scoped3A, %dma_wait3A_34] : memref<2x128xi32, #tpu.memory_space<vmem>> -> memref<1x128xi32, #tpu.memory_space<vmem>>
        %dma_wait3A_36 = tpu.memref_squeeze %dma_wait3A_35 : memref<1x128xi32, #tpu.memory_space<vmem>> -> memref<128xi32, #tpu.memory_space<vmem>>
        %dma_wait3A_37 = arith.constant 0 : i32
        %dma_wait3A_38 = arith.constant 0 : i32
        %dma_wait3A_39 = tpu.memref_slice %arg9[%dma_wait3A_37, %dma_wait3A_38] : memref<10240x128xf32, #tpu.memory_space<vmem_shared>> -> memref<10240x128xf32, #tpu.memory_space<vmem_shared>>
        tpu.wait_indirect_dma semaphore(%run_scoped3A_27 : memref<!tpu.dma_semaphore, #tpu.memory_space<semaphore_mem>>) src(%arg7 : memref<128x128xf32, #tpu.memory_space<vmem>>) dst(%dma_wait3A_39 : memref<10240x128xf32, #tpu.memory_space<vmem_shared>>)
        tpu.yield
      }) : () -> ()
    }
    %scan3A_9 = arith.constant 79 : i32
    %barrier3A_10 = arith.constant 0 : index
    tpu.barrier barrier_id(%barrier3A_10)
    "tpu.region"() ({
      %run_scoped3A = tpu.sem_alloc : memref<!tpu.dma_semaphore, #tpu.memory_space<semaphore_mem>>
      %dma_start3A = arith.constant 0 : i32
      %dma_start3A_11 = tpu.memref_slice %arg5[%arg0, %mul3A_0, %dma_start3A] : memref<2x10240x128xf32, #tpu.memory_space<hbm>> -> memref<1x640x128xf32, #tpu.memory_space<hbm>>
      %dma_start3A_12 = tpu.memref_squeeze %dma_start3A_11 : memref<1x640x128xf32, #tpu.memory_space<hbm>> -> memref<640x128xf32, #tpu.memory_space<hbm>>
      %dma_start3A_13 = arith.constant 0 : i32
      %dma_start3A_14 = tpu.memref_slice %arg9[%mul3A_0, %dma_start3A_13] : memref<10240x128xf32, #tpu.memory_space<vmem_shared>> -> memref<640x128xf32, #tpu.memory_space<vmem_shared>>
      tpu.enqueue_dma source(%dma_start3A_14 : memref<640x128xf32, #tpu.memory_space<vmem_shared>>) target(%dma_start3A_12 : memref<640x128xf32, #tpu.memory_space<hbm>>) target_semaphore(%run_scoped3A : memref<!tpu.dma_semaphore, #tpu.memory_space<semaphore_mem>>)
      %dma_wait3A = arith.constant 0 : i32
      %dma_wait3A_15 = tpu.memref_slice %arg5[%arg0, %mul3A_0, %dma_wait3A] : memref<2x10240x128xf32, #tpu.memory_space<hbm>> -> memref<1x640x128xf32, #tpu.memory_space<hbm>>
      %dma_wait3A_16 = tpu.memref_squeeze %dma_wait3A_15 : memref<1x640x128xf32, #tpu.memory_space<hbm>> -> memref<640x128xf32, #tpu.memory_space<hbm>>
      %dma_wait3A_17 = arith.constant 0 : i32
      %dma_wait3A_18 = tpu.memref_slice %arg9[%mul3A_0, %dma_wait3A_17] : memref<10240x128xf32, #tpu.memory_space<vmem_shared>> -> memref<640x128xf32, #tpu.memory_space<vmem_shared>>
      tpu.wait_dma2 semaphore(%run_scoped3A : memref<!tpu.dma_semaphore, #tpu.memory_space<semaphore_mem>>) src(%dma_wait3A_18 : memref<640x128xf32, #tpu.memory_space<vmem_shared>>) dst(%dma_wait3A_16 : memref<640x128xf32, #tpu.memory_space<hbm>>)
      tpu.yield
    }) : () -> ()
    return
  }
}

#map = affine_map<(d0, d1) -> (0, 0)>
#map1 = affine_map<(d0, d1) -> (0, 0, 0)>
module attributes {stable_mosaic.version = 14 : i64} {
  func.func @body(%arg0: i32, %arg1: i32, %arg2: memref<10000x128xf32, #tpu.memory_space<hbm>>, %arg3: memref<5056x128xi32, #tpu.memory_space<hbm>>, %arg4: memref<10240x128xf32, #tpu.memory_space<hbm>>, %arg5: memref<2x10240x128xf32, #tpu.memory_space<hbm>>, %arg6: memref<2x128xi32, #tpu.memory_space<vmem>>, %arg7: memref<128x128xf32, #tpu.memory_space<vmem>>, %arg8: memref<!tpu.dma_semaphore, #tpu.memory_space<semaphore_mem>>, %arg9: memref<10240x128xf32, #tpu.memory_space<vmem_shared>>) attributes {dimension_semantics = [#tpu.dimension_semantics<core_parallel>, #tpu.dimension_semantics<subcore_parallel>], iteration_bounds = array<i64: 2, 16>, scalar_prefetch = 0 : i64, scratch_operands = 4 : i64, tpu.core_type = #tpu.core_type<sc_vector_subcore>, window_params = [{transform_indices = #map}, {transform_indices = #map}, {transform_indices = #map}, {transform_indices = #map1}]} {
    %mul3A = arith.constant 640 : i32
    %mul3A_0 = arith.muli %arg1, %mul3A : i32
    "tpu.region"() ({
      %run_scoped3A = tpu.sem_alloc : memref<!tpu.dma_semaphore, #tpu.memory_space<semaphore_mem>>
      %dma_start3A = arith.constant 0 : i32
      %dma_start3A_11 = tpu.memref_slice %arg9[%mul3A_0, %dma_start3A] : memref<10240x128xf32, #tpu.memory_space<vmem_shared>> -> memref<640x128xf32, #tpu.memory_space<vmem_shared>>
      %dma_start3A_12 = arith.constant 0 : i32
      %dma_start3A_13 = tpu.memref_slice %arg4[%mul3A_0, %dma_start3A_12] : memref<10240x128xf32, #tpu.memory_space<hbm>> -> memref<640x128xf32, #tpu.memory_space<hbm>>
      tpu.enqueue_dma source(%dma_start3A_13 : memref<640x128xf32, #tpu.memory_space<hbm>>) target(%dma_start3A_11 : memref<640x128xf32, #tpu.memory_space<vmem_shared>>) target_semaphore(%run_scoped3A : memref<!tpu.dma_semaphore, #tpu.memory_space<semaphore_mem>>)
      %dma_wait3A = arith.constant 0 : i32
      %dma_wait3A_14 = tpu.memref_slice %arg9[%mul3A_0, %dma_wait3A] : memref<10240x128xf32, #tpu.memory_space<vmem_shared>> -> memref<640x128xf32, #tpu.memory_space<vmem_shared>>
      %dma_wait3A_15 = arith.constant 0 : i32
      %dma_wait3A_16 = tpu.memref_slice %arg4[%mul3A_0, %dma_wait3A_15] : memref<10240x128xf32, #tpu.memory_space<hbm>> -> memref<640x128xf32, #tpu.memory_space<hbm>>
      tpu.wait_dma2 semaphore(%run_scoped3A : memref<!tpu.dma_semaphore, #tpu.memory_space<semaphore_mem>>) src(%dma_wait3A_16 : memref<640x128xf32, #tpu.memory_space<hbm>>) dst(%dma_wait3A_14 : memref<640x128xf32, #tpu.memory_space<vmem_shared>>)
      tpu.yield
    }) : () -> ()
    %barrier3A = arith.constant 0 : index
    tpu.barrier barrier_id(%barrier3A)
    %mul3A_1 = arith.constant 16 : i32
    %mul3A_2 = arith.muli %arg0, %mul3A_1 : i32
    %add3A = arith.addi %mul3A_2, %arg1 : i32
    %mul3A_3 = arith.constant 79 : i32
    %mul3A_4 = arith.muli %add3A, %mul3A_3 : i32
    %scan3A = arith.constant 0 : i32
    %scan3A_5 = arith.constant 0 : i32
    %scan3A_6 = arith.constant 79 : i32
    %scan3A_7 = arith.addi %scan3A_5, %scan3A_6 : i32
    %scan3A_8 = arith.constant 1 : i32
    scf.for %scan3A_11 = %scan3A_5 to %scan3A_7 step %scan3A_8  : i32 {
      %add3A_12 = arith.addi %mul3A_4, %scan3A_11 : i32
      %mul3A_13 = arith.constant 2 : i32
      %mul3A_14 = arith.muli %mul3A_13, %add3A_12 : i32
      "tpu.region"() ({
        %run_scoped3A_27 = tpu.sem_alloc : memref<!tpu.dma_semaphore, #tpu.memory_space<semaphore_mem>>
        %dma_start3A_28 = arith.constant 0 : i32
        %dma_start3A_29 = tpu.memref_slice %arg3[%mul3A_14, %dma_start3A_28] : memref<5056x128xi32, #tpu.memory_space<hbm>> -> memref<2x128xi32, #tpu.memory_space<hbm>>
        %dma_start3A_30 = arith.constant 0 : i32
        %dma_start3A_31 = tpu.memref_slice %arg3[%mul3A_14, %dma_start3A_30] : memref<5056x128xi32, #tpu.memory_space<hbm>> -> memref<2x128xi32, #tpu.memory_space<hbm>>
        tpu.enqueue_dma source(%dma_start3A_31 : memref<2x128xi32, #tpu.memory_space<hbm>>) target(%arg6 : memref<2x128xi32, #tpu.memory_space<vmem>>) target_semaphore(%run_scoped3A_27 : memref<!tpu.dma_semaphore, #tpu.memory_space<semaphore_mem>>)
        %dma_wait3A_32 = arith.constant 0 : i32
        %dma_wait3A_33 = tpu.memref_slice %arg3[%mul3A_14, %dma_wait3A_32] : memref<5056x128xi32, #tpu.memory_space<hbm>> -> memref<2x128xi32, #tpu.memory_space<hbm>>
        %dma_wait3A_34 = arith.constant 0 : i32
        %dma_wait3A_35 = tpu.memref_slice %arg3[%mul3A_14, %dma_wait3A_34] : memref<5056x128xi32, #tpu.memory_space<hbm>> -> memref<2x128xi32, #tpu.memory_space<hbm>>
        tpu.wait_dma2 semaphore(%run_scoped3A_27 : memref<!tpu.dma_semaphore, #tpu.memory_space<semaphore_mem>>) src(%dma_wait3A_35 : memref<2x128xi32, #tpu.memory_space<hbm>>) dst(%arg6 : memref<2x128xi32, #tpu.memory_space<vmem>>)
        tpu.yield
      }) : () -> ()
      %dma_start3A = arith.constant 0 : i32
      %dma_start3A_15 = arith.constant 0 : i32
      %dma_start3A_16 = tpu.memref_slice %arg6[%dma_start3A, %dma_start3A_15] : memref<2x128xi32, #tpu.memory_space<vmem>> -> memref<1x128xi32, #tpu.memory_space<vmem>>
      %dma_start3A_17 = tpu.memref_squeeze %dma_start3A_16 : memref<1x128xi32, #tpu.memory_space<vmem>> -> memref<128xi32, #tpu.memory_space<vmem>>
      %dma_start3A_18 = arith.constant 0 : i32
      %dma_start3A_19 = arith.constant 0 : i32
      %dma_start3A_20 = tpu.memref_slice %arg2[%dma_start3A_18, %dma_start3A_19] : memref<10000x128xf32, #tpu.memory_space<hbm>> -> memref<10000x128xf32, #tpu.memory_space<hbm>>
      tpu.enqueue_indirect_dma source(%dma_start3A_20 : memref<10000x128xf32, #tpu.memory_space<hbm>>) target(%arg7 : memref<128x128xf32, #tpu.memory_space<vmem>>) offsets(%dma_start3A_17 : memref<128xi32, #tpu.memory_space<vmem>>) semaphore(%arg8 : memref<!tpu.dma_semaphore, #tpu.memory_space<semaphore_mem>>)
      %dma_wait3A = arith.constant 0 : i32
      %dma_wait3A_21 = arith.constant 0 : i32
      %dma_wait3A_22 = tpu.memref_slice %arg6[%dma_wait3A, %dma_wait3A_21] : memref<2x128xi32, #tpu.memory_space<vmem>> -> memref<1x128xi32, #tpu.memory_space<vmem>>
      %dma_wait3A_23 = tpu.memref_squeeze %dma_wait3A_22 : memref<1x128xi32, #tpu.memory_space<vmem>> -> memref<128xi32, #tpu.memory_space<vmem>>
      %dma_wait3A_24 = arith.constant 0 : i32
      %dma_wait3A_25 = arith.constant 0 : i32
      %dma_wait3A_26 = tpu.memref_slice %arg2[%dma_wait3A_24, %dma_wait3A_25] : memref<10000x128xf32, #tpu.memory_space<hbm>> -> memref<10000x128xf32, #tpu.memory_space<hbm>>
      tpu.wait_indirect_dma semaphore(%arg8 : memref<!tpu.dma_semaphore, #tpu.memory_space<semaphore_mem>>) src(%dma_wait3A_26 : memref<10000x128xf32, #tpu.memory_space<hbm>>) dst(%arg7 : memref<128x128xf32, #tpu.memory_space<vmem>>)
      %run_scoped3A = arith.constant 1 : i32
      "tpu.region"() ({
        %run_scoped3A_27 = tpu.sem_alloc : memref<!tpu.dma_semaphore, #tpu.memory_space<semaphore_mem>>
        %dma_start3A_28 = arith.constant 0 : i32
        %dma_start3A_29 = tpu.memref_slice %arg6[%run_scoped3A, %dma_start3A_28] : memref<2x128xi32, #tpu.memory_space<vmem>> -> memref<1x128xi32, #tpu.memory_space<vmem>>
        %dma_start3A_30 = tpu.memref_squeeze %dma_start3A_29 : memref<1x128xi32, #tpu.memory_space<vmem>> -> memref<128xi32, #tpu.memory_space<vmem>>
        %dma_start3A_31 = arith.constant 0 : i32
        %dma_start3A_32 = arith.constant 0 : i32
        %dma_start3A_33 = tpu.memref_slice %arg9[%dma_start3A_31, %dma_start3A_32] : memref<10240x128xf32, #tpu.memory_space<vmem_shared>> -> memref<10240x128xf32, #tpu.memory_space<vmem_shared>>
        tpu.enqueue_indirect_dma source(%arg7 : memref<128x128xf32, #tpu.memory_space<vmem>>) target(%dma_start3A_33 : memref<10240x128xf32, #tpu.memory_space<vmem_shared>>) offsets(%dma_start3A_30 : memref<128xi32, #tpu.memory_space<vmem>>) semaphore(%run_scoped3A_27 : memref<!tpu.dma_semaphore, #tpu.memory_space<semaphore_mem>>) {add = true}
        %dma_wait3A_34 = arith.constant 0 : i32
        %dma_wait3A_35 = tpu.memref_slice %arg6[%run_scoped3A, %dma_wait3A_34] : memref<2x128xi32, #tpu.memory_space<vmem>> -> memref<1x128xi32, #tpu.memory_space<vmem>>
        %dma_wait3A_36 = tpu.memref_squeeze %dma_wait3A_35 : memref<1x128xi32, #tpu.memory_space<vmem>> -> memref<128xi32, #tpu.memory_space<vmem>>
        %dma_wait3A_37 = arith.constant 0 : i32
        %dma_wait3A_38 = arith.constant 0 : i32
        %dma_wait3A_39 = tpu.memref_slice %arg9[%dma_wait3A_37, %dma_wait3A_38] : memref<10240x128xf32, #tpu.memory_space<vmem_shared>> -> memref<10240x128xf32, #tpu.memory_space<vmem_shared>>
        tpu.wait_indirect_dma semaphore(%run_scoped3A_27 : memref<!tpu.dma_semaphore, #tpu.memory_space<semaphore_mem>>) src(%arg7 : memref<128x128xf32, #tpu.memory_space<vmem>>) dst(%dma_wait3A_39 : memref<10240x128xf32, #tpu.memory_space<vmem_shared>>)
        tpu.yield
      }) : () -> ()
    }
    %scan3A_9 = arith.constant 79 : i32
    %barrier3A_10 = arith.constant 0 : index
    tpu.barrier barrier_id(%barrier3A_10)
    "tpu.region"() ({
      %run_scoped3A = tpu.sem_alloc : memref<!tpu.dma_semaphore, #tpu.memory_space<semaphore_mem>>
      %dma_start3A = arith.constant 0 : i32
      %dma_start3A_11 = tpu.memref_slice %arg5[%arg0, %mul3A_0, %dma_start3A] : memref<2x10240x128xf32, #tpu.memory_space<hbm>> -> memref<1x640x128xf32, #tpu.memory_space<hbm>>
      %dma_start3A_12 = tpu.memref_squeeze %dma_start3A_11 : memref<1x640x128xf32, #tpu.memory_space<hbm>> -> memref<640x128xf32, #tpu.memory_space<hbm>>
      %dma_start3A_13 = arith.constant 0 : i32
      %dma_start3A_14 = tpu.memref_slice %arg9[%mul3A_0, %dma_start3A_13] : memref<10240x128xf32, #tpu.memory_space<vmem_shared>> -> memref<640x128xf32, #tpu.memory_space<vmem_shared>>
      tpu.enqueue_dma source(%dma_start3A_14 : memref<640x128xf32, #tpu.memory_space<vmem_shared>>) target(%dma_start3A_12 : memref<640x128xf32, #tpu.memory_space<hbm>>) target_semaphore(%run_scoped3A : memref<!tpu.dma_semaphore, #tpu.memory_space<semaphore_mem>>)
      %dma_wait3A = arith.constant 0 : i32
      %dma_wait3A_15 = tpu.memref_slice %arg5[%arg0, %mul3A_0, %dma_wait3A] : memref<2x10240x128xf32, #tpu.memory_space<hbm>> -> memref<1x640x128xf32, #tpu.memory_space<hbm>>
      %dma_wait3A_16 = tpu.memref_squeeze %dma_wait3A_15 : memref<1x640x128xf32, #tpu.memory_space<hbm>> -> memref<640x128xf32, #tpu.memory_space<hbm>>
      %dma_wait3A_17 = arith.constant 0 : i32
      %dma_wait3A_18 = tpu.memref_slice %arg9[%mul3A_0, %dma_wait3A_17] : memref<10240x128xf32, #tpu.memory_space<vmem_shared>> -> memref<640x128xf32, #tpu.memory_space<vmem_shared>>
      tpu.wait_dma2 semaphore(%run_scoped3A : memref<!tpu.dma_semaphore, #tpu.memory_space<semaphore_mem>>) src(%dma_wait3A_18 : memref<640x128xf32, #tpu.memory_space<vmem_shared>>) dst(%dma_wait3A_16 : memref<640x128xf32, #tpu.memory_space<hbm>>)
      tpu.yield
    }) : () -> ()
    return
  }
}

#map = affine_map<(d0, d1) -> (0)>
#map1 = affine_map<(d0, d1) -> (0, 0)>
module attributes {stable_mosaic.version = 14 : i64} {
  func.func @body(%arg0: i32, %arg1: i32, %arg2: memref<323584xi32, #tpu.memory_space<hbm>>, %arg3: memref<10240xf32, #tpu.memory_space<hbm>>, %arg4: memref<2x10240xf32, #tpu.memory_space<hbm>>, %arg5: memref<128xi32, #tpu.memory_space<vmem>>, %arg6: memref<128xf32, #tpu.memory_space<vmem>>, %arg7: memref<10240xf32, #tpu.memory_space<vmem_shared>>) attributes {dimension_semantics = [#tpu.dimension_semantics<core_parallel>, #tpu.dimension_semantics<subcore_parallel>], iteration_bounds = array<i64: 2, 16>, scalar_prefetch = 0 : i64, scratch_operands = 3 : i64, tpu.core_type = #tpu.core_type<sc_vector_subcore>, window_params = [{transform_indices = #map}, {transform_indices = #map}, {transform_indices = #map1}]} {
    %mul3A = arith.constant 640 : i32
    %mul3A_0 = arith.muli %arg1, %mul3A : i32
    "tpu.region"() ({
      %run_scoped3A = tpu.sem_alloc : memref<!tpu.dma_semaphore, #tpu.memory_space<semaphore_mem>>
      %dma_start3A = tpu.memref_slice %arg7[%mul3A_0] : memref<10240xf32, #tpu.memory_space<vmem_shared>> -> memref<640xf32, #tpu.memory_space<vmem_shared>>
      %dma_start3A_59 = tpu.memref_slice %arg3[%mul3A_0] : memref<10240xf32, #tpu.memory_space<hbm>> -> memref<640xf32, #tpu.memory_space<hbm>>
      tpu.enqueue_dma source(%dma_start3A_59 : memref<640xf32, #tpu.memory_space<hbm>>) target(%dma_start3A : memref<640xf32, #tpu.memory_space<vmem_shared>>) target_semaphore(%run_scoped3A : memref<!tpu.dma_semaphore, #tpu.memory_space<semaphore_mem>>)
      %dma_wait3A = tpu.memref_slice %arg7[%mul3A_0] : memref<10240xf32, #tpu.memory_space<vmem_shared>> -> memref<640xf32, #tpu.memory_space<vmem_shared>>
      %dma_wait3A_60 = tpu.memref_slice %arg3[%mul3A_0] : memref<10240xf32, #tpu.memory_space<hbm>> -> memref<640xf32, #tpu.memory_space<hbm>>
      tpu.wait_dma2 semaphore(%run_scoped3A : memref<!tpu.dma_semaphore, #tpu.memory_space<semaphore_mem>>) src(%dma_wait3A_60 : memref<640xf32, #tpu.memory_space<hbm>>) dst(%dma_wait3A : memref<640xf32, #tpu.memory_space<vmem_shared>>)
      tpu.yield
    }) : () -> ()
    %broadcast_in_dim3A = arith.constant 1.000000e+00 : f32
    %broadcast_in_dim3A_1 = vector.broadcast %broadcast_in_dim3A : f32 to vector<16xf32>
    %swap3A = arith.constant 0 : index
    %swap3A_2 = tpu.vector_load %arg6[%swap3A] {strides = array<i32>} : memref<128xf32, #tpu.memory_space<vmem>>, vector<16xf32>,
    %swap3A_3 = vector.shape_cast %swap3A_2 : vector<16xf32> to vector<16xf32>
    %swap3A_4 = vector.shape_cast %broadcast_in_dim3A_1 : vector<16xf32> to vector<16xf32>
    tpu.vector_store %arg6[%swap3A], %swap3A_4 {strides = array<i32>} : memref<128xf32, #tpu.memory_space<vmem>>, vector<16xf32>,
    %broadcast_in_dim3A_5 = arith.constant 1.000000e+00 : f32
    %broadcast_in_dim3A_6 = vector.broadcast %broadcast_in_dim3A_5 : f32 to vector<16xf32>
    %swap3A_7 = arith.constant 16 : index
    %swap3A_8 = tpu.vector_load %arg6[%swap3A_7] {strides = array<i32>} : memref<128xf32, #tpu.memory_space<vmem>>, vector<16xf32>,
    %swap3A_9 = vector.shape_cast %swap3A_8 : vector<16xf32> to vector<16xf32>
    %swap3A_10 = vector.shape_cast %broadcast_in_dim3A_6 : vector<16xf32> to vector<16xf32>
    tpu.vector_store %arg6[%swap3A_7], %swap3A_10 {strides = array<i32>} : memref<128xf32, #tpu.memory_space<vmem>>, vector<16xf32>,
    %broadcast_in_dim3A_11 = arith.constant 1.000000e+00 : f32
    %broadcast_in_dim3A_12 = vector.broadcast %broadcast_in_dim3A_11 : f32 to vector<16xf32>
    %swap3A_13 = arith.constant 32 : index
    %swap3A_14 = tpu.vector_load %arg6[%swap3A_13] {strides = array<i32>} : memref<128xf32, #tpu.memory_space<vmem>>, vector<16xf32>,
    %swap3A_15 = vector.shape_cast %swap3A_14 : vector<16xf32> to vector<16xf32>
    %swap3A_16 = vector.shape_cast %broadcast_in_dim3A_12 : vector<16xf32> to vector<16xf32>
    tpu.vector_store %arg6[%swap3A_13], %swap3A_16 {strides = array<i32>} : memref<128xf32, #tpu.memory_space<vmem>>, vector<16xf32>,
    %broadcast_in_dim3A_17 = arith.constant 1.000000e+00 : f32
    %broadcast_in_dim3A_18 = vector.broadcast %broadcast_in_dim3A_17 : f32 to vector<16xf32>
    %swap3A_19 = arith.constant 48 : index
    %swap3A_20 = tpu.vector_load %arg6[%swap3A_19] {strides = array<i32>} : memref<128xf32, #tpu.memory_space<vmem>>, vector<16xf32>,
    %swap3A_21 = vector.shape_cast %swap3A_20 : vector<16xf32> to vector<16xf32>
    %swap3A_22 = vector.shape_cast %broadcast_in_dim3A_18 : vector<16xf32> to vector<16xf32>
    tpu.vector_store %arg6[%swap3A_19], %swap3A_22 {strides = array<i32>} : memref<128xf32, #tpu.memory_space<vmem>>, vector<16xf32>,
    %broadcast_in_dim3A_23 = arith.constant 1.000000e+00 : f32
    %broadcast_in_dim3A_24 = vector.broadcast %broadcast_in_dim3A_23 : f32 to vector<16xf32>
    %swap3A_25 = arith.constant 64 : index
    %swap3A_26 = tpu.vector_load %arg6[%swap3A_25] {strides = array<i32>} : memref<128xf32, #tpu.memory_space<vmem>>, vector<16xf32>,
    %swap3A_27 = vector.shape_cast %swap3A_26 : vector<16xf32> to vector<16xf32>
    %swap3A_28 = vector.shape_cast %broadcast_in_dim3A_24 : vector<16xf32> to vector<16xf32>
    tpu.vector_store %arg6[%swap3A_25], %swap3A_28 {strides = array<i32>} : memref<128xf32, #tpu.memory_space<vmem>>, vector<16xf32>,
    %broadcast_in_dim3A_29 = arith.constant 1.000000e+00 : f32
    %broadcast_in_dim3A_30 = vector.broadcast %broadcast_in_dim3A_29 : f32 to vector<16xf32>
    %swap3A_31 = arith.constant 80 : index
    %swap3A_32 = tpu.vector_load %arg6[%swap3A_31] {strides = array<i32>} : memref<128xf32, #tpu.memory_space<vmem>>, vector<16xf32>,
    %swap3A_33 = vector.shape_cast %swap3A_32 : vector<16xf32> to vector<16xf32>
    %swap3A_34 = vector.shape_cast %broadcast_in_dim3A_30 : vector<16xf32> to vector<16xf32>
    tpu.vector_store %arg6[%swap3A_31], %swap3A_34 {strides = array<i32>} : memref<128xf32, #tpu.memory_space<vmem>>, vector<16xf32>,
    %broadcast_in_dim3A_35 = arith.constant 1.000000e+00 : f32
    %broadcast_in_dim3A_36 = vector.broadcast %broadcast_in_dim3A_35 : f32 to vector<16xf32>
    %swap3A_37 = arith.constant 96 : index
    %swap3A_38 = tpu.vector_load %arg6[%swap3A_37] {strides = array<i32>} : memref<128xf32, #tpu.memory_space<vmem>>, vector<16xf32>,
    %swap3A_39 = vector.shape_cast %swap3A_38 : vector<16xf32> to vector<16xf32>
    %swap3A_40 = vector.shape_cast %broadcast_in_dim3A_36 : vector<16xf32> to vector<16xf32>
    tpu.vector_store %arg6[%swap3A_37], %swap3A_40 {strides = array<i32>} : memref<128xf32, #tpu.memory_space<vmem>>, vector<16xf32>,
    %broadcast_in_dim3A_41 = arith.constant 1.000000e+00 : f32
    %broadcast_in_dim3A_42 = vector.broadcast %broadcast_in_dim3A_41 : f32 to vector<16xf32>
    %swap3A_43 = arith.constant 112 : index
    %swap3A_44 = tpu.vector_load %arg6[%swap3A_43] {strides = array<i32>} : memref<128xf32, #tpu.memory_space<vmem>>, vector<16xf32>,
    %swap3A_45 = vector.shape_cast %swap3A_44 : vector<16xf32> to vector<16xf32>
    %swap3A_46 = vector.shape_cast %broadcast_in_dim3A_42 : vector<16xf32> to vector<16xf32>
    tpu.vector_store %arg6[%swap3A_43], %swap3A_46 {strides = array<i32>} : memref<128xf32, #tpu.memory_space<vmem>>, vector<16xf32>,
    %barrier3A = arith.constant 0 : index
    tpu.barrier barrier_id(%barrier3A)
    %mul3A_47 = arith.constant 16 : i32
    %mul3A_48 = arith.muli %arg0, %mul3A_47 : i32
    %add3A = arith.addi %mul3A_48, %arg1 : i32
    %mul3A_49 = arith.constant 79 : i32
    %mul3A_50 = arith.muli %add3A, %mul3A_49 : i32
    %mul3A_51 = arith.constant 128 : i32
    %mul3A_52 = arith.muli %mul3A_50, %mul3A_51 : i32
    %scan3A = arith.constant 0 : i32
    %scan3A_53 = arith.constant 0 : i32
    %scan3A_54 = arith.constant 79 : i32
    %scan3A_55 = arith.addi %scan3A_53, %scan3A_54 : i32
    %scan3A_56 = arith.constant 1 : i32
    scf.for %scan3A_59 = %scan3A_53 to %scan3A_55 step %scan3A_56  : i32 {
      %mul3A_60 = arith.constant 128 : i32
      %mul3A_61 = arith.muli %scan3A_59, %mul3A_60 : i32
      %add3A_62 = arith.addi %mul3A_52, %mul3A_61 : i32
      %multiple_of3A = tpu.assume_multiple %add3A_62, 8 : i32
      "tpu.region"() ({
        %run_scoped3A = tpu.sem_alloc : memref<!tpu.dma_semaphore, #tpu.memory_space<semaphore_mem>>
        %dma_start3A = tpu.memref_slice %arg2[%multiple_of3A] : memref<323584xi32, #tpu.memory_space<hbm>> -> memref<128xi32, #tpu.memory_space<hbm>>
        %dma_start3A_63 = tpu.memref_slice %arg2[%multiple_of3A] : memref<323584xi32, #tpu.memory_space<hbm>> -> memref<128xi32, #tpu.memory_space<hbm>>
        tpu.enqueue_dma source(%dma_start3A_63 : memref<128xi32, #tpu.memory_space<hbm>>) target(%arg5 : memref<128xi32, #tpu.memory_space<vmem>>) target_semaphore(%run_scoped3A : memref<!tpu.dma_semaphore, #tpu.memory_space<semaphore_mem>>)
        %dma_wait3A = tpu.memref_slice %arg2[%multiple_of3A] : memref<323584xi32, #tpu.memory_space<hbm>> -> memref<128xi32, #tpu.memory_space<hbm>>
        %dma_wait3A_64 = tpu.memref_slice %arg2[%multiple_of3A] : memref<323584xi32, #tpu.memory_space<hbm>> -> memref<128xi32, #tpu.memory_space<hbm>>
        tpu.wait_dma2 semaphore(%run_scoped3A : memref<!tpu.dma_semaphore, #tpu.memory_space<semaphore_mem>>) src(%dma_wait3A_64 : memref<128xi32, #tpu.memory_space<hbm>>) dst(%arg5 : memref<128xi32, #tpu.memory_space<vmem>>)
        tpu.yield
      }) : () -> ()
      "tpu.region"() ({
        %run_scoped3A = tpu.sem_alloc : memref<!tpu.dma_semaphore, #tpu.memory_space<semaphore_mem>>
        %dma_start3A = arith.constant 0 : i32
        %dma_start3A_63 = tpu.memref_slice %arg7[%dma_start3A] : memref<10240xf32, #tpu.memory_space<vmem_shared>> -> memref<10240xf32, #tpu.memory_space<vmem_shared>>
        tpu.enqueue_indirect_dma source(%arg6 : memref<128xf32, #tpu.memory_space<vmem>>) target(%dma_start3A_63 : memref<10240xf32, #tpu.memory_space<vmem_shared>>) offsets(%arg5 : memref<128xi32, #tpu.memory_space<vmem>>) semaphore(%run_scoped3A : memref<!tpu.dma_semaphore, #tpu.memory_space<semaphore_mem>>) {add = true}
        %dma_wait3A = arith.constant 0 : i32
        %dma_wait3A_64 = tpu.memref_slice %arg7[%dma_wait3A] : memref<10240xf32, #tpu.memory_space<vmem_shared>> -> memref<10240xf32, #tpu.memory_space<vmem_shared>>
        tpu.wait_indirect_dma semaphore(%run_scoped3A : memref<!tpu.dma_semaphore, #tpu.memory_space<semaphore_mem>>) src(%arg6 : memref<128xf32, #tpu.memory_space<vmem>>) dst(%dma_wait3A_64 : memref<10240xf32, #tpu.memory_space<vmem_shared>>)
        tpu.yield
      }) : () -> ()
    }
    %scan3A_57 = arith.constant 79 : i32
    %barrier3A_58 = arith.constant 0 : index
    tpu.barrier barrier_id(%barrier3A_58)
    "tpu.region"() ({
      %run_scoped3A = tpu.sem_alloc : memref<!tpu.dma_semaphore, #tpu.memory_space<semaphore_mem>>
      %dma_start3A = tpu.memref_slice %arg4[%arg0, %mul3A_0] : memref<2x10240xf32, #tpu.memory_space<hbm>> -> memref<1x640xf32, #tpu.memory_space<hbm>>
      %dma_start3A_59 = tpu.memref_squeeze %dma_start3A : memref<1x640xf32, #tpu.memory_space<hbm>> -> memref<640xf32, #tpu.memory_space<hbm>>
      %dma_start3A_60 = tpu.memref_slice %arg7[%mul3A_0] : memref<10240xf32, #tpu.memory_space<vmem_shared>> -> memref<640xf32, #tpu.memory_space<vmem_shared>>
      tpu.enqueue_dma source(%dma_start3A_60 : memref<640xf32, #tpu.memory_space<vmem_shared>>) target(%dma_start3A_59 : memref<640xf32, #tpu.memory_space<hbm>>) target_semaphore(%run_scoped3A : memref<!tpu.dma_semaphore, #tpu.memory_space<semaphore_mem>>)
      %dma_wait3A = tpu.memref_slice %arg4[%arg0, %mul3A_0] : memref<2x10240xf32, #tpu.memory_space<hbm>> -> memref<1x640xf32, #tpu.memory_space<hbm>>
      %dma_wait3A_61 = tpu.memref_squeeze %dma_wait3A : memref<1x640xf32, #tpu.memory_space<hbm>> -> memref<640xf32, #tpu.memory_space<hbm>>
      %dma_wait3A_62 = tpu.memref_slice %arg7[%mul3A_0] : memref<10240xf32, #tpu.memory_space<vmem_shared>> -> memref<640xf32, #tpu.memory_space<vmem_shared>>
      tpu.wait_dma2 semaphore(%run_scoped3A : memref<!tpu.dma_semaphore, #tpu.memory_space<semaphore_mem>>) src(%dma_wait3A_62 : memref<640xf32, #tpu.memory_space<vmem_shared>>) dst(%dma_wait3A_61 : memref<640xf32, #tpu.memory_space<hbm>>)
      tpu.yield
    }) : () -> ()
    return
  }
}

#map = affine_map<(d0, d1) -> (0, 0)>
#map1 = affine_map<(d0, d1) -> (0, 0, 0)>
module attributes {stable_mosaic.version = 14 : i64} {
  func.func @body(%arg0: i32, %arg1: i32, %arg2: memref<10000x128xf32, #tpu.memory_space<hbm>>, %arg3: memref<5056x128xi32, #tpu.memory_space<hbm>>, %arg4: memref<10240x128xf32, #tpu.memory_space<hbm>>, %arg5: memref<2x10240x128xf32, #tpu.memory_space<hbm>>, %arg6: memref<2x128xi32, #tpu.memory_space<vmem>>, %arg7: memref<128x128xf32, #tpu.memory_space<vmem>>, %arg8: memref<!tpu.dma_semaphore, #tpu.memory_space<semaphore_mem>>, %arg9: memref<10240x128xf32, #tpu.memory_space<vmem_shared>>) attributes {dimension_semantics = [#tpu.dimension_semantics<core_parallel>, #tpu.dimension_semantics<subcore_parallel>], iteration_bounds = array<i64: 2, 16>, scalar_prefetch = 0 : i64, scratch_operands = 4 : i64, tpu.core_type = #tpu.core_type<sc_vector_subcore>, window_params = [{transform_indices = #map}, {transform_indices = #map}, {transform_indices = #map}, {transform_indices = #map1}]} {
    %mul3A = arith.constant 640 : i32
    %mul3A_0 = arith.muli %arg1, %mul3A : i32
    "tpu.region"() ({
      %run_scoped3A = tpu.sem_alloc : memref<!tpu.dma_semaphore, #tpu.memory_space<semaphore_mem>>
      %dma_start3A = arith.constant 0 : i32
      %dma_start3A_11 = tpu.memref_slice %arg9[%mul3A_0, %dma_start3A] : memref<10240x128xf32, #tpu.memory_space<vmem_shared>> -> memref<640x128xf32, #tpu.memory_space<vmem_shared>>
      %dma_start3A_12 = arith.constant 0 : i32
      %dma_start3A_13 = tpu.memref_slice %arg4[%mul3A_0, %dma_start3A_12] : memref<10240x128xf32, #tpu.memory_space<hbm>> -> memref<640x128xf32, #tpu.memory_space<hbm>>
      tpu.enqueue_dma source(%dma_start3A_13 : memref<640x128xf32, #tpu.memory_space<hbm>>) target(%dma_start3A_11 : memref<640x128xf32, #tpu.memory_space<vmem_shared>>) target_semaphore(%run_scoped3A : memref<!tpu.dma_semaphore, #tpu.memory_space<semaphore_mem>>)
      %dma_wait3A = arith.constant 0 : i32
      %dma_wait3A_14 = tpu.memref_slice %arg9[%mul3A_0, %dma_wait3A] : memref<10240x128xf32, #tpu.memory_space<vmem_shared>> -> memref<640x128xf32, #tpu.memory_space<vmem_shared>>
      %dma_wait3A_15 = arith.constant 0 : i32
      %dma_wait3A_16 = tpu.memref_slice %arg4[%mul3A_0, %dma_wait3A_15] : memref<10240x128xf32, #tpu.memory_space<hbm>> -> memref<640x128xf32, #tpu.memory_space<hbm>>
      tpu.wait_dma2 semaphore(%run_scoped3A : memref<!tpu.dma_semaphore, #tpu.memory_space<semaphore_mem>>) src(%dma_wait3A_16 : memref<640x128xf32, #tpu.memory_space<hbm>>) dst(%dma_wait3A_14 : memref<640x128xf32, #tpu.memory_space<vmem_shared>>)
      tpu.yield
    }) : () -> ()
    %barrier3A = arith.constant 0 : index
    tpu.barrier barrier_id(%barrier3A)
    %mul3A_1 = arith.constant 16 : i32
    %mul3A_2 = arith.muli %arg0, %mul3A_1 : i32
    %add3A = arith.addi %mul3A_2, %arg1 : i32
    %mul3A_3 = arith.constant 79 : i32
    %mul3A_4 = arith.muli %add3A, %mul3A_3 : i32
    %scan3A = arith.constant 0 : i32
    %scan3A_5 = arith.constant 0 : i32
    %scan3A_6 = arith.constant 79 : i32
    %scan3A_7 = arith.addi %scan3A_5, %scan3A_6 : i32
    %scan3A_8 = arith.constant 1 : i32
    scf.for %scan3A_11 = %scan3A_5 to %scan3A_7 step %scan3A_8  : i32 {
      %add3A_12 = arith.addi %mul3A_4, %scan3A_11 : i32
      %mul3A_13 = arith.constant 2 : i32
      %mul3A_14 = arith.muli %mul3A_13, %add3A_12 : i32
      "tpu.region"() ({
        %run_scoped3A_27 = tpu.sem_alloc : memref<!tpu.dma_semaphore, #tpu.memory_space<semaphore_mem>>
        %dma_start3A_28 = arith.constant 0 : i32
        %dma_start3A_29 = tpu.memref_slice %arg3[%mul3A_14, %dma_start3A_28] : memref<5056x128xi32, #tpu.memory_space<hbm>> -> memref<2x128xi32, #tpu.memory_space<hbm>>
        %dma_start3A_30 = arith.constant 0 : i32
        %dma_start3A_31 = tpu.memref_slice %arg3[%mul3A_14, %dma_start3A_30] : memref<5056x128xi32, #tpu.memory_space<hbm>> -> memref<2x128xi32, #tpu.memory_space<hbm>>
        tpu.enqueue_dma source(%dma_start3A_31 : memref<2x128xi32, #tpu.memory_space<hbm>>) target(%arg6 : memref<2x128xi32, #tpu.memory_space<vmem>>) target_semaphore(%run_scoped3A_27 : memref<!tpu.dma_semaphore, #tpu.memory_space<semaphore_mem>>)
        %dma_wait3A_32 = arith.constant 0 : i32
        %dma_wait3A_33 = tpu.memref_slice %arg3[%mul3A_14, %dma_wait3A_32] : memref<5056x128xi32, #tpu.memory_space<hbm>> -> memref<2x128xi32, #tpu.memory_space<hbm>>
        %dma_wait3A_34 = arith.constant 0 : i32
        %dma_wait3A_35 = tpu.memref_slice %arg3[%mul3A_14, %dma_wait3A_34] : memref<5056x128xi32, #tpu.memory_space<hbm>> -> memref<2x128xi32, #tpu.memory_space<hbm>>
        tpu.wait_dma2 semaphore(%run_scoped3A_27 : memref<!tpu.dma_semaphore, #tpu.memory_space<semaphore_mem>>) src(%dma_wait3A_35 : memref<2x128xi32, #tpu.memory_space<hbm>>) dst(%arg6 : memref<2x128xi32, #tpu.memory_space<vmem>>)
        tpu.yield
      }) : () -> ()
      %dma_start3A = arith.constant 0 : i32
      %dma_start3A_15 = arith.constant 0 : i32
      %dma_start3A_16 = tpu.memref_slice %arg6[%dma_start3A, %dma_start3A_15] : memref<2x128xi32, #tpu.memory_space<vmem>> -> memref<1x128xi32, #tpu.memory_space<vmem>>
      %dma_start3A_17 = tpu.memref_squeeze %dma_start3A_16 : memref<1x128xi32, #tpu.memory_space<vmem>> -> memref<128xi32, #tpu.memory_space<vmem>>
      %dma_start3A_18 = arith.constant 0 : i32
      %dma_start3A_19 = arith.constant 0 : i32
      %dma_start3A_20 = tpu.memref_slice %arg2[%dma_start3A_18, %dma_start3A_19] : memref<10000x128xf32, #tpu.memory_space<hbm>> -> memref<10000x128xf32, #tpu.memory_space<hbm>>
      tpu.enqueue_indirect_dma source(%dma_start3A_20 : memref<10000x128xf32, #tpu.memory_space<hbm>>) target(%arg7 : memref<128x128xf32, #tpu.memory_space<vmem>>) offsets(%dma_start3A_17 : memref<128xi32, #tpu.memory_space<vmem>>) semaphore(%arg8 : memref<!tpu.dma_semaphore, #tpu.memory_space<semaphore_mem>>)
      %dma_wait3A = arith.constant 0 : i32
      %dma_wait3A_21 = arith.constant 0 : i32
      %dma_wait3A_22 = tpu.memref_slice %arg6[%dma_wait3A, %dma_wait3A_21] : memref<2x128xi32, #tpu.memory_space<vmem>> -> memref<1x128xi32, #tpu.memory_space<vmem>>
      %dma_wait3A_23 = tpu.memref_squeeze %dma_wait3A_22 : memref<1x128xi32, #tpu.memory_space<vmem>> -> memref<128xi32, #tpu.memory_space<vmem>>
      %dma_wait3A_24 = arith.constant 0 : i32
      %dma_wait3A_25 = arith.constant 0 : i32
      %dma_wait3A_26 = tpu.memref_slice %arg2[%dma_wait3A_24, %dma_wait3A_25] : memref<10000x128xf32, #tpu.memory_space<hbm>> -> memref<10000x128xf32, #tpu.memory_space<hbm>>
      tpu.wait_indirect_dma semaphore(%arg8 : memref<!tpu.dma_semaphore, #tpu.memory_space<semaphore_mem>>) src(%dma_wait3A_26 : memref<10000x128xf32, #tpu.memory_space<hbm>>) dst(%arg7 : memref<128x128xf32, #tpu.memory_space<vmem>>)
      %run_scoped3A = arith.constant 1 : i32
      "tpu.region"() ({
        %run_scoped3A_27 = tpu.sem_alloc : memref<!tpu.dma_semaphore, #tpu.memory_space<semaphore_mem>>
        %dma_start3A_28 = arith.constant 0 : i32
        %dma_start3A_29 = tpu.memref_slice %arg6[%run_scoped3A, %dma_start3A_28] : memref<2x128xi32, #tpu.memory_space<vmem>> -> memref<1x128xi32, #tpu.memory_space<vmem>>
        %dma_start3A_30 = tpu.memref_squeeze %dma_start3A_29 : memref<1x128xi32, #tpu.memory_space<vmem>> -> memref<128xi32, #tpu.memory_space<vmem>>
        %dma_start3A_31 = arith.constant 0 : i32
        %dma_start3A_32 = arith.constant 0 : i32
        %dma_start3A_33 = tpu.memref_slice %arg9[%dma_start3A_31, %dma_start3A_32] : memref<10240x128xf32, #tpu.memory_space<vmem_shared>> -> memref<10240x128xf32, #tpu.memory_space<vmem_shared>>
        tpu.enqueue_indirect_dma source(%arg7 : memref<128x128xf32, #tpu.memory_space<vmem>>) target(%dma_start3A_33 : memref<10240x128xf32, #tpu.memory_space<vmem_shared>>) offsets(%dma_start3A_30 : memref<128xi32, #tpu.memory_space<vmem>>) semaphore(%run_scoped3A_27 : memref<!tpu.dma_semaphore, #tpu.memory_space<semaphore_mem>>) {add = true}
        %dma_wait3A_34 = arith.constant 0 : i32
        %dma_wait3A_35 = tpu.memref_slice %arg6[%run_scoped3A, %dma_wait3A_34] : memref<2x128xi32, #tpu.memory_space<vmem>> -> memref<1x128xi32, #tpu.memory_space<vmem>>
        %dma_wait3A_36 = tpu.memref_squeeze %dma_wait3A_35 : memref<1x128xi32, #tpu.memory_space<vmem>> -> memref<128xi32, #tpu.memory_space<vmem>>
        %dma_wait3A_37 = arith.constant 0 : i32
        %dma_wait3A_38 = arith.constant 0 : i32
        %dma_wait3A_39 = tpu.memref_slice %arg9[%dma_wait3A_37, %dma_wait3A_38] : memref<10240x128xf32, #tpu.memory_space<vmem_shared>> -> memref<10240x128xf32, #tpu.memory_space<vmem_shared>>
        tpu.wait_indirect_dma semaphore(%run_scoped3A_27 : memref<!tpu.dma_semaphore, #tpu.memory_space<semaphore_mem>>) src(%arg7 : memref<128x128xf32, #tpu.memory_space<vmem>>) dst(%dma_wait3A_39 : memref<10240x128xf32, #tpu.memory_space<vmem_shared>>)
        tpu.yield
      }) : () -> ()
    }
    %scan3A_9 = arith.constant 79 : i32
    %barrier3A_10 = arith.constant 0 : index
    tpu.barrier barrier_id(%barrier3A_10)
    "tpu.region"() ({
      %run_scoped3A = tpu.sem_alloc : memref<!tpu.dma_semaphore, #tpu.memory_space<semaphore_mem>>
      %dma_start3A = arith.constant 0 : i32
      %dma_start3A_11 = tpu.memref_slice %arg5[%arg0, %mul3A_0, %dma_start3A] : memref<2x10240x128xf32, #tpu.memory_space<hbm>> -> memref<1x640x128xf32, #tpu.memory_space<hbm>>
      %dma_start3A_12 = tpu.memref_squeeze %dma_start3A_11 : memref<1x640x128xf32, #tpu.memory_space<hbm>> -> memref<640x128xf32, #tpu.memory_space<hbm>>
      %dma_start3A_13 = arith.constant 0 : i32
      %dma_start3A_14 = tpu.memref_slice %arg9[%mul3A_0, %dma_start3A_13] : memref<10240x128xf32, #tpu.memory_space<vmem_shared>> -> memref<640x128xf32, #tpu.memory_space<vmem_shared>>
      tpu.enqueue_dma source(%dma_start3A_14 : memref<640x128xf32, #tpu.memory_space<vmem_shared>>) target(%dma_start3A_12 : memref<640x128xf32, #tpu.memory_space<hbm>>) target_semaphore(%run_scoped3A : memref<!tpu.dma_semaphore, #tpu.memory_space<semaphore_mem>>)
      %dma_wait3A = arith.constant 0 : i32
      %dma_wait3A_15 = tpu.memref_slice %arg5[%arg0, %mul3A_0, %dma_wait3A] : memref<2x10240x128xf32, #tpu.memory_space<hbm>> -> memref<1x640x128xf32, #tpu.memory_space<hbm>>
      %dma_wait3A_16 = tpu.memref_squeeze %dma_wait3A_15 : memref<1x640x128xf32, #tpu.memory_space<hbm>> -> memref<640x128xf32, #tpu.memory_space<hbm>>
      %dma_wait3A_17 = arith.constant 0 : i32
      %dma_wait3A_18 = tpu.memref_slice %arg9[%mul3A_0, %dma_wait3A_17] : memref<10240x128xf32, #tpu.memory_space<vmem_shared>> -> memref<640x128xf32, #tpu.memory_space<vmem_shared>>
      tpu.wait_dma2 semaphore(%run_scoped3A : memref<!tpu.dma_semaphore, #tpu.memory_space<semaphore_mem>>) src(%dma_wait3A_18 : memref<640x128xf32, #tpu.memory_space<vmem_shared>>) dst(%dma_wait3A_16 : memref<640x128xf32, #tpu.memory_space<hbm>>)
      tpu.yield
    }) : () -> ()
    return
  }
}

#map = affine_map<(d0, d1) -> (0, 0)>
#map1 = affine_map<(d0, d1) -> (0, 0, 0)>
module attributes {stable_mosaic.version = 14 : i64} {
  func.func @body(%arg0: i32, %arg1: i32, %arg2: memref<10000x128xf32, #tpu.memory_space<hbm>>, %arg3: memref<5056x128xi32, #tpu.memory_space<hbm>>, %arg4: memref<10240x128xf32, #tpu.memory_space<hbm>>, %arg5: memref<2x10240x128xf32, #tpu.memory_space<hbm>>, %arg6: memref<2x128xi32, #tpu.memory_space<vmem>>, %arg7: memref<128x128xf32, #tpu.memory_space<vmem>>, %arg8: memref<!tpu.dma_semaphore, #tpu.memory_space<semaphore_mem>>, %arg9: memref<10240x128xf32, #tpu.memory_space<vmem_shared>>) attributes {dimension_semantics = [#tpu.dimension_semantics<core_parallel>, #tpu.dimension_semantics<subcore_parallel>], iteration_bounds = array<i64: 2, 16>, scalar_prefetch = 0 : i64, scratch_operands = 4 : i64, tpu.core_type = #tpu.core_type<sc_vector_subcore>, window_params = [{transform_indices = #map}, {transform_indices = #map}, {transform_indices = #map}, {transform_indices = #map1}]} {
    %mul3A = arith.constant 640 : i32
    %mul3A_0 = arith.muli %arg1, %mul3A : i32
    "tpu.region"() ({
      %run_scoped3A = tpu.sem_alloc : memref<!tpu.dma_semaphore, #tpu.memory_space<semaphore_mem>>
      %dma_start3A = arith.constant 0 : i32
      %dma_start3A_11 = tpu.memref_slice %arg9[%mul3A_0, %dma_start3A] : memref<10240x128xf32, #tpu.memory_space<vmem_shared>> -> memref<640x128xf32, #tpu.memory_space<vmem_shared>>
      %dma_start3A_12 = arith.constant 0 : i32
      %dma_start3A_13 = tpu.memref_slice %arg4[%mul3A_0, %dma_start3A_12] : memref<10240x128xf32, #tpu.memory_space<hbm>> -> memref<640x128xf32, #tpu.memory_space<hbm>>
      tpu.enqueue_dma source(%dma_start3A_13 : memref<640x128xf32, #tpu.memory_space<hbm>>) target(%dma_start3A_11 : memref<640x128xf32, #tpu.memory_space<vmem_shared>>) target_semaphore(%run_scoped3A : memref<!tpu.dma_semaphore, #tpu.memory_space<semaphore_mem>>)
      %dma_wait3A = arith.constant 0 : i32
      %dma_wait3A_14 = tpu.memref_slice %arg9[%mul3A_0, %dma_wait3A] : memref<10240x128xf32, #tpu.memory_space<vmem_shared>> -> memref<640x128xf32, #tpu.memory_space<vmem_shared>>
      %dma_wait3A_15 = arith.constant 0 : i32
      %dma_wait3A_16 = tpu.memref_slice %arg4[%mul3A_0, %dma_wait3A_15] : memref<10240x128xf32, #tpu.memory_space<hbm>> -> memref<640x128xf32, #tpu.memory_space<hbm>>
      tpu.wait_dma2 semaphore(%run_scoped3A : memref<!tpu.dma_semaphore, #tpu.memory_space<semaphore_mem>>) src(%dma_wait3A_16 : memref<640x128xf32, #tpu.memory_space<hbm>>) dst(%dma_wait3A_14 : memref<640x128xf32, #tpu.memory_space<vmem_shared>>)
      tpu.yield
    }) : () -> ()
    %barrier3A = arith.constant 0 : index
    tpu.barrier barrier_id(%barrier3A)
    %mul3A_1 = arith.constant 16 : i32
    %mul3A_2 = arith.muli %arg0, %mul3A_1 : i32
    %add3A = arith.addi %mul3A_2, %arg1 : i32
    %mul3A_3 = arith.constant 79 : i32
    %mul3A_4 = arith.muli %add3A, %mul3A_3 : i32
    %scan3A = arith.constant 0 : i32
    %scan3A_5 = arith.constant 0 : i32
    %scan3A_6 = arith.constant 79 : i32
    %scan3A_7 = arith.addi %scan3A_5, %scan3A_6 : i32
    %scan3A_8 = arith.constant 1 : i32
    scf.for %scan3A_11 = %scan3A_5 to %scan3A_7 step %scan3A_8  : i32 {
      %add3A_12 = arith.addi %mul3A_4, %scan3A_11 : i32
      %mul3A_13 = arith.constant 2 : i32
      %mul3A_14 = arith.muli %mul3A_13, %add3A_12 : i32
      "tpu.region"() ({
        %run_scoped3A_27 = tpu.sem_alloc : memref<!tpu.dma_semaphore, #tpu.memory_space<semaphore_mem>>
        %dma_start3A_28 = arith.constant 0 : i32
        %dma_start3A_29 = tpu.memref_slice %arg3[%mul3A_14, %dma_start3A_28] : memref<5056x128xi32, #tpu.memory_space<hbm>> -> memref<2x128xi32, #tpu.memory_space<hbm>>
        %dma_start3A_30 = arith.constant 0 : i32
        %dma_start3A_31 = tpu.memref_slice %arg3[%mul3A_14, %dma_start3A_30] : memref<5056x128xi32, #tpu.memory_space<hbm>> -> memref<2x128xi32, #tpu.memory_space<hbm>>
        tpu.enqueue_dma source(%dma_start3A_31 : memref<2x128xi32, #tpu.memory_space<hbm>>) target(%arg6 : memref<2x128xi32, #tpu.memory_space<vmem>>) target_semaphore(%run_scoped3A_27 : memref<!tpu.dma_semaphore, #tpu.memory_space<semaphore_mem>>)
        %dma_wait3A_32 = arith.constant 0 : i32
        %dma_wait3A_33 = tpu.memref_slice %arg3[%mul3A_14, %dma_wait3A_32] : memref<5056x128xi32, #tpu.memory_space<hbm>> -> memref<2x128xi32, #tpu.memory_space<hbm>>
        %dma_wait3A_34 = arith.constant 0 : i32
        %dma_wait3A_35 = tpu.memref_slice %arg3[%mul3A_14, %dma_wait3A_34] : memref<5056x128xi32, #tpu.memory_space<hbm>> -> memref<2x128xi32, #tpu.memory_space<hbm>>
        tpu.wait_dma2 semaphore(%run_scoped3A_27 : memref<!tpu.dma_semaphore, #tpu.memory_space<semaphore_mem>>) src(%dma_wait3A_35 : memref<2x128xi32, #tpu.memory_space<hbm>>) dst(%arg6 : memref<2x128xi32, #tpu.memory_space<vmem>>)
        tpu.yield
      }) : () -> ()
      %dma_start3A = arith.constant 0 : i32
      %dma_start3A_15 = arith.constant 0 : i32
      %dma_start3A_16 = tpu.memref_slice %arg6[%dma_start3A, %dma_start3A_15] : memref<2x128xi32, #tpu.memory_space<vmem>> -> memref<1x128xi32, #tpu.memory_space<vmem>>
      %dma_start3A_17 = tpu.memref_squeeze %dma_start3A_16 : memref<1x128xi32, #tpu.memory_space<vmem>> -> memref<128xi32, #tpu.memory_space<vmem>>
      %dma_start3A_18 = arith.constant 0 : i32
      %dma_start3A_19 = arith.constant 0 : i32
      %dma_start3A_20 = tpu.memref_slice %arg2[%dma_start3A_18, %dma_start3A_19] : memref<10000x128xf32, #tpu.memory_space<hbm>> -> memref<10000x128xf32, #tpu.memory_space<hbm>>
      tpu.enqueue_indirect_dma source(%dma_start3A_20 : memref<10000x128xf32, #tpu.memory_space<hbm>>) target(%arg7 : memref<128x128xf32, #tpu.memory_space<vmem>>) offsets(%dma_start3A_17 : memref<128xi32, #tpu.memory_space<vmem>>) semaphore(%arg8 : memref<!tpu.dma_semaphore, #tpu.memory_space<semaphore_mem>>)
      %dma_wait3A = arith.constant 0 : i32
      %dma_wait3A_21 = arith.constant 0 : i32
      %dma_wait3A_22 = tpu.memref_slice %arg6[%dma_wait3A, %dma_wait3A_21] : memref<2x128xi32, #tpu.memory_space<vmem>> -> memref<1x128xi32, #tpu.memory_space<vmem>>
      %dma_wait3A_23 = tpu.memref_squeeze %dma_wait3A_22 : memref<1x128xi32, #tpu.memory_space<vmem>> -> memref<128xi32, #tpu.memory_space<vmem>>
      %dma_wait3A_24 = arith.constant 0 : i32
      %dma_wait3A_25 = arith.constant 0 : i32
      %dma_wait3A_26 = tpu.memref_slice %arg2[%dma_wait3A_24, %dma_wait3A_25] : memref<10000x128xf32, #tpu.memory_space<hbm>> -> memref<10000x128xf32, #tpu.memory_space<hbm>>
      tpu.wait_indirect_dma semaphore(%arg8 : memref<!tpu.dma_semaphore, #tpu.memory_space<semaphore_mem>>) src(%dma_wait3A_26 : memref<10000x128xf32, #tpu.memory_space<hbm>>) dst(%arg7 : memref<128x128xf32, #tpu.memory_space<vmem>>)
      %run_scoped3A = arith.constant 1 : i32
      "tpu.region"() ({
        %run_scoped3A_27 = tpu.sem_alloc : memref<!tpu.dma_semaphore, #tpu.memory_space<semaphore_mem>>
        %dma_start3A_28 = arith.constant 0 : i32
        %dma_start3A_29 = tpu.memref_slice %arg6[%run_scoped3A, %dma_start3A_28] : memref<2x128xi32, #tpu.memory_space<vmem>> -> memref<1x128xi32, #tpu.memory_space<vmem>>
        %dma_start3A_30 = tpu.memref_squeeze %dma_start3A_29 : memref<1x128xi32, #tpu.memory_space<vmem>> -> memref<128xi32, #tpu.memory_space<vmem>>
        %dma_start3A_31 = arith.constant 0 : i32
        %dma_start3A_32 = arith.constant 0 : i32
        %dma_start3A_33 = tpu.memref_slice %arg9[%dma_start3A_31, %dma_start3A_32] : memref<10240x128xf32, #tpu.memory_space<vmem_shared>> -> memref<10240x128xf32, #tpu.memory_space<vmem_shared>>
        tpu.enqueue_indirect_dma source(%arg7 : memref<128x128xf32, #tpu.memory_space<vmem>>) target(%dma_start3A_33 : memref<10240x128xf32, #tpu.memory_space<vmem_shared>>) offsets(%dma_start3A_30 : memref<128xi32, #tpu.memory_space<vmem>>) semaphore(%run_scoped3A_27 : memref<!tpu.dma_semaphore, #tpu.memory_space<semaphore_mem>>) {add = true}
        %dma_wait3A_34 = arith.constant 0 : i32
        %dma_wait3A_35 = tpu.memref_slice %arg6[%run_scoped3A, %dma_wait3A_34] : memref<2x128xi32, #tpu.memory_space<vmem>> -> memref<1x128xi32, #tpu.memory_space<vmem>>
        %dma_wait3A_36 = tpu.memref_squeeze %dma_wait3A_35 : memref<1x128xi32, #tpu.memory_space<vmem>> -> memref<128xi32, #tpu.memory_space<vmem>>
        %dma_wait3A_37 = arith.constant 0 : i32
        %dma_wait3A_38 = arith.constant 0 : i32
        %dma_wait3A_39 = tpu.memref_slice %arg9[%dma_wait3A_37, %dma_wait3A_38] : memref<10240x128xf32, #tpu.memory_space<vmem_shared>> -> memref<10240x128xf32, #tpu.memory_space<vmem_shared>>
        tpu.wait_indirect_dma semaphore(%run_scoped3A_27 : memref<!tpu.dma_semaphore, #tpu.memory_space<semaphore_mem>>) src(%arg7 : memref<128x128xf32, #tpu.memory_space<vmem>>) dst(%dma_wait3A_39 : memref<10240x128xf32, #tpu.memory_space<vmem_shared>>)
        tpu.yield
      }) : () -> ()
    }
    %scan3A_9 = arith.constant 79 : i32
    %barrier3A_10 = arith.constant 0 : index
    tpu.barrier barrier_id(%barrier3A_10)
    "tpu.region"() ({
      %run_scoped3A = tpu.sem_alloc : memref<!tpu.dma_semaphore, #tpu.memory_space<semaphore_mem>>
      %dma_start3A = arith.constant 0 : i32
      %dma_start3A_11 = tpu.memref_slice %arg5[%arg0, %mul3A_0, %dma_start3A] : memref<2x10240x128xf32, #tpu.memory_space<hbm>> -> memref<1x640x128xf32, #tpu.memory_space<hbm>>
      %dma_start3A_12 = tpu.memref_squeeze %dma_start3A_11 : memref<1x640x128xf32, #tpu.memory_space<hbm>> -> memref<640x128xf32, #tpu.memory_space<hbm>>
      %dma_start3A_13 = arith.constant 0 : i32
      %dma_start3A_14 = tpu.memref_slice %arg9[%mul3A_0, %dma_start3A_13] : memref<10240x128xf32, #tpu.memory_space<vmem_shared>> -> memref<640x128xf32, #tpu.memory_space<vmem_shared>>
      tpu.enqueue_dma source(%dma_start3A_14 : memref<640x128xf32, #tpu.memory_space<vmem_shared>>) target(%dma_start3A_12 : memref<640x128xf32, #tpu.memory_space<hbm>>) target_semaphore(%run_scoped3A : memref<!tpu.dma_semaphore, #tpu.memory_space<semaphore_mem>>)
      %dma_wait3A = arith.constant 0 : i32
      %dma_wait3A_15 = tpu.memref_slice %arg5[%arg0, %mul3A_0, %dma_wait3A] : memref<2x10240x128xf32, #tpu.memory_space<hbm>> -> memref<1x640x128xf32, #tpu.memory_space<hbm>>
      %dma_wait3A_16 = tpu.memref_squeeze %dma_wait3A_15 : memref<1x640x128xf32, #tpu.memory_space<hbm>> -> memref<640x128xf32, #tpu.memory_space<hbm>>
      %dma_wait3A_17 = arith.constant 0 : i32
      %dma_wait3A_18 = tpu.memref_slice %arg9[%mul3A_0, %dma_wait3A_17] : memref<10240x128xf32, #tpu.memory_space<vmem_shared>> -> memref<640x128xf32, #tpu.memory_space<vmem_shared>>
      tpu.wait_dma2 semaphore(%run_scoped3A : memref<!tpu.dma_semaphore, #tpu.memory_space<semaphore_mem>>) src(%dma_wait3A_18 : memref<640x128xf32, #tpu.memory_space<vmem_shared>>) dst(%dma_wait3A_16 : memref<640x128xf32, #tpu.memory_space<hbm>>)
      tpu.yield
    }) : () -> ()
    return
  }
}

module attributes {stable_mosaic.version = 14 : i64} {
  func.func @body(%arg0: i32, %arg1: memref<1000x2xf32, #tpu.memory_space<vmem>>, %arg2: memref<1000x128xf32, #tpu.memory_space<vmem>>, %arg3: memref<1000x128xf32, #tpu.memory_space<vmem>>) attributes {dimension_semantics = [#tpu.dimension_semantics<arbitrary>], iteration_bounds = array<i64: 10>, scalar_prefetch = 0 : i64, scratch_operands = 0 : i64, tpu.core_type = #tpu.core_type<tc>, window_params = [{transform_indices = @transform_0, window_bounds = array<i64: 1000, 2>}, {transform_indices = @transform_1, window_bounds = array<i64: 1000, 128>}, {transform_indices = @transform_2, window_bounds = array<i64: 1000, 128>}]} {
    %get3A = arith.constant 0 : index
    %get3A_0 = arith.constant 0 : index
    %get3A_1 = vector.load %arg1[%get3A, %get3A_0] : memref<1000x2xf32, #tpu.memory_space<vmem>>, vector<1000x2xf32>
    %slice3A = vector.extract_strided_slice %get3A_1 {offsets = [0, 0], sizes = [1000, 1], strides = [1, 1]} : vector<1000x2xf32> to vector<1000x1xf32>
    %squeeze3A = vector.shape_cast %slice3A : vector<1000x1xf32> to vector<1000xf32>
    %slice3A_2 = vector.extract_strided_slice %get3A_1 {offsets = [0, 1], sizes = [1000, 1], strides = [1, 1]} : vector<1000x2xf32> to vector<1000x1xf32>
    %squeeze3A_3 = vector.shape_cast %slice3A_2 : vector<1000x1xf32> to vector<1000xf32>
    %add3A = arith.addf %squeeze3A, %squeeze3A_3 : vector<1000xf32>
    %add3A_4 = arith.constant 1.000000e+00 : f32
    %add3A_5 = vector.broadcast %add3A_4 : f32 to vector<1000xf32>
    %add3A_6 = arith.addf %add3A, %add3A_5 : vector<1000xf32>
    %rsqrt3A = math.rsqrt %add3A_6 : vector<1000xf32>
    %broadcast_in_dim3A = vector.shape_cast %rsqrt3A : vector<1000xf32> to vector<1000x1xf32>
    %get3A_7 = arith.constant 0 : index
    %get3A_8 = arith.constant 0 : index
    %get3A_9 = vector.load %arg2[%get3A_7, %get3A_8] : memref<1000x128xf32, #tpu.memory_space<vmem>>, vector<1000x128xf32>
    %mul3A = vector.broadcast %broadcast_in_dim3A : vector<1000x1xf32> to vector<1000x128xf32>
    %mul3A_10 = arith.mulf %mul3A, %get3A_9 : vector<1000x128xf32>
    %swap3A = arith.constant 0 : index
    %swap3A_11 = arith.constant 0 : index
    %swap3A_12 = vector.load %arg3[%swap3A, %swap3A_11] : memref<1000x128xf32, #tpu.memory_space<vmem>>, vector<1000x128xf32>
    tpu.vector_store %arg3[%swap3A, %swap3A_11], %mul3A_10 {strides = array<i32>} : memref<1000x128xf32, #tpu.memory_space<vmem>>, vector<1000x128xf32>,
    return
  }
  func.func @transform_0(%arg0: i32) -> (i32, i32) {
    %c0_i32 = arith.constant 0 : i32
    %c0_i32_0 = arith.constant 0 : i32
    return %arg0, %c0_i32 : i32, i32
  }
  func.func @transform_1(%arg0: i32) -> (i32, i32) {
    %c0_i32 = arith.constant 0 : i32
    %c0_i32_0 = arith.constant 0 : i32
    return %arg0, %c0_i32 : i32, i32
  }
  func.func @transform_2(%arg0: i32) -> (i32, i32) {
    %c0_i32 = arith.constant 0 : i32
    %c0_i32_0 = arith.constant 0 : i32
    return %arg0, %c0_i32 : i32, i32
  }
}

module attributes {stable_mosaic.version = 14 : i64} {
  func.func @body(%arg0: i32, %arg1: memref<1000x2xf32, #tpu.memory_space<vmem>>, %arg2: memref<2x1000x128xf32, #tpu.memory_space<vmem>>, %arg3: memref<1000x128xf32, #tpu.memory_space<vmem>>, %arg4: memref<128x256xf32, #tpu.memory_space<vmem>>, %arg5: memref<1x256xf32, #tpu.memory_space<vmem>>, %arg6: memref<1000x128xf32, #tpu.memory_space<vmem>>, %arg7: memref<1000x128xf32, #tpu.memory_space<vmem>>) attributes {dimension_semantics = [#tpu.dimension_semantics<arbitrary>], iteration_bounds = array<i64: 10>, scalar_prefetch = 0 : i64, scratch_operands = 0 : i64, tpu.core_type = #tpu.core_type<tc>, window_params = [{transform_indices = @transform_0, window_bounds = array<i64: 1000, 2>}, {transform_indices = @transform_1, window_bounds = array<i64: 2, 1000, 128>}, {transform_indices = @transform_2, window_bounds = array<i64: 1000, 128>}, {pipeline_mode = #tpu.pipeline_mode<synchronous>, transform_indices = @transform_3, window_bounds = array<i64: 128, 256>}, {pipeline_mode = #tpu.pipeline_mode<synchronous>, transform_indices = @transform_4, window_bounds = array<i64: 1, 256>}, {transform_indices = @transform_5, window_bounds = array<i64: 1000, 128>}, {transform_indices = @transform_6, window_bounds = array<i64: 1000, 128>}]} {
    %get3A = arith.constant 0 : index
    %get3A_0 = arith.constant 0 : index
    %get3A_1 = vector.load %arg1[%get3A, %get3A_0] : memref<1000x2xf32, #tpu.memory_space<vmem>>, vector<1000x2xf32>
    %slice3A = vector.extract_strided_slice %get3A_1 {offsets = [0, 0], sizes = [1000, 1], strides = [1, 1]} : vector<1000x2xf32> to vector<1000x1xf32>
    %squeeze3A = vector.shape_cast %slice3A : vector<1000x1xf32> to vector<1000xf32>
    %slice3A_2 = vector.extract_strided_slice %get3A_1 {offsets = [0, 1], sizes = [1000, 1], strides = [1, 1]} : vector<1000x2xf32> to vector<1000x1xf32>
    %squeeze3A_3 = vector.shape_cast %slice3A_2 : vector<1000x1xf32> to vector<1000xf32>
    %add3A = arith.addf %squeeze3A, %squeeze3A_3 : vector<1000xf32>
    %add3A_4 = arith.constant 1.000000e+00 : f32
    %add3A_5 = vector.broadcast %add3A_4 : f32 to vector<1000xf32>
    %add3A_6 = arith.addf %add3A, %add3A_5 : vector<1000xf32>
    %rsqrt3A = math.rsqrt %add3A_6 : vector<1000xf32>
    %broadcast_in_dim3A = vector.shape_cast %rsqrt3A : vector<1000xf32> to vector<1000x1xf32>
    %get3A_7 = arith.constant 0 : index
    %get3A_8 = arith.constant 0 : index
    %get3A_9 = arith.constant 0 : index
    %get3A_10 = vector.load %arg2[%get3A_7, %get3A_8, %get3A_9] : memref<2x1000x128xf32, #tpu.memory_space<vmem>>, vector<1x1000x128xf32>
    %get3A_11 = vector.shape_cast %get3A_10 : vector<1x1000x128xf32> to vector<1000x128xf32>
    %get3A_12 = arith.constant 1 : index
    %get3A_13 = arith.constant 0 : index
    %get3A_14 = arith.constant 0 : index
    %get3A_15 = vector.load %arg2[%get3A_12, %get3A_13, %get3A_14] : memref<2x1000x128xf32, #tpu.memory_space<vmem>>, vector<1x1000x128xf32>
    %get3A_16 = vector.shape_cast %get3A_15 : vector<1x1000x128xf32> to vector<1000x128xf32>
    %add3A_17 = arith.addf %get3A_11, %get3A_16 : vector<1000x128xf32>
    %get3A_18 = arith.constant 0 : index
    %get3A_19 = arith.constant 0 : index
    %get3A_20 = vector.load %arg3[%get3A_18, %get3A_19] : memref<1000x128xf32, #tpu.memory_space<vmem>>, vector<1000x128xf32>
    %add3A_21 = arith.addf %add3A_17, %get3A_20 : vector<1000x128xf32>
    %mul3A = vector.broadcast %broadcast_in_dim3A : vector<1000x1xf32> to vector<1000x128xf32>
    %mul3A_22 = arith.mulf %mul3A, %add3A_21 : vector<1000x128xf32>
    %get3A_23 = arith.constant 0 : index
    %get3A_24 = arith.constant 0 : index
    %get3A_25 = vector.load %arg4[%get3A_23, %get3A_24] : memref<128x256xf32, #tpu.memory_space<vmem>>, vector<128x256xf32>
    %dot_general3A = arith.constant dense<0.000000e+00> : vector<1000x256xf32>
    %dot_general3A_26 = tpu.matmul %mul3A_22, %get3A_25, %dot_general3A {dimension_numbers = #tpu.dot_dimension_numbers<[1], [0], [0], [1], [0, 0, 1, 1], [], []>, transpose_lhs_hint = false} : vector<1000x128xf32>, vector<128x256xf32>, vector<1000x256xf32> -> vector<1000x256xf32>
    %get3A_27 = arith.constant 0 : index
    %get3A_28 = arith.constant 0 : index
    %get3A_29 = vector.load %arg5[%get3A_27, %get3A_28] : memref<1x256xf32, #tpu.memory_space<vmem>>, vector<1x256xf32>
    %add3A_30 = vector.broadcast %get3A_29 : vector<1x256xf32> to vector<1000x256xf32>
    %add3A_31 = arith.addf %dot_general3A_26, %add3A_30 : vector<1000x256xf32>
    %max3A = arith.constant 0.000000e+00 : f32
    %max3A_32 = vector.broadcast %max3A : f32 to vector<1000x256xf32>
    %max3A_33 = arith.maximumf %add3A_31, %max3A_32 : vector<1000x256xf32>
    %mul3A_34 = vector.broadcast %broadcast_in_dim3A : vector<1000x1xf32> to vector<1000x256xf32>
    %mul3A_35 = arith.mulf %mul3A_34, %max3A_33 : vector<1000x256xf32>
    %slice3A_36 = vector.extract_strided_slice %mul3A_35 {offsets = [0, 0], sizes = [1000, 128], strides = [1, 1]} : vector<1000x256xf32> to vector<1000x128xf32>
    %swap3A = arith.constant 0 : index
    %swap3A_37 = arith.constant 0 : index
    %swap3A_38 = vector.load %arg6[%swap3A, %swap3A_37] : memref<1000x128xf32, #tpu.memory_space<vmem>>, vector<1000x128xf32>
    tpu.vector_store %arg6[%swap3A, %swap3A_37], %slice3A_36 {strides = array<i32>} : memref<1000x128xf32, #tpu.memory_space<vmem>>, vector<1000x128xf32>,
    %slice3A_39 = vector.extract_strided_slice %mul3A_35 {offsets = [0, 128], sizes = [1000, 128], strides = [1, 1]} : vector<1000x256xf32> to vector<1000x128xf32>
    %swap3A_40 = arith.constant 0 : index
    %swap3A_41 = arith.constant 0 : index
    %swap3A_42 = vector.load %arg7[%swap3A_40, %swap3A_41] : memref<1000x128xf32, #tpu.memory_space<vmem>>, vector<1000x128xf32>
    tpu.vector_store %arg7[%swap3A_40, %swap3A_41], %slice3A_39 {strides = array<i32>} : memref<1000x128xf32, #tpu.memory_space<vmem>>, vector<1000x128xf32>,
    return
  }
  func.func @transform_0(%arg0: i32) -> (i32, i32) {
    %c0_i32 = arith.constant 0 : i32
    %c0_i32_0 = arith.constant 0 : i32
    return %arg0, %c0_i32 : i32, i32
  }
  func.func @transform_1(%arg0: i32) -> (i32, i32, i32) {
    %c0_i32 = arith.constant 0 : i32
    %c0_i32_0 = arith.constant 0 : i32
    %c0_i32_1 = arith.constant 0 : i32
    return %c0_i32, %arg0, %c0_i32_0 : i32, i32, i32
  }
  func.func @transform_2(%arg0: i32) -> (i32, i32) {
    %c0_i32 = arith.constant 0 : i32
    %c0_i32_0 = arith.constant 0 : i32
    return %arg0, %c0_i32 : i32, i32
  }
  func.func @transform_3(%arg0: i32) -> (i32, i32) {
    %c0_i32 = arith.constant 0 : i32
    %c0_i32_0 = arith.constant 0 : i32
    %c0_i32_1 = arith.constant 0 : i32
    return %c0_i32, %c0_i32_0 : i32, i32
  }
  func.func @transform_4(%arg0: i32) -> (i32, i32) {
    %c0_i32 = arith.constant 0 : i32
    %c0_i32_0 = arith.constant 0 : i32
    %c0_i32_1 = arith.constant 0 : i32
    return %c0_i32, %c0_i32_0 : i32, i32
  }
  func.func @transform_5(%arg0: i32) -> (i32, i32) {
    %c0_i32 = arith.constant 0 : i32
    %c0_i32_0 = arith.constant 0 : i32
    return %arg0, %c0_i32 : i32, i32
  }
  func.func @transform_6(%arg0: i32) -> (i32, i32) {
    %c0_i32 = arith.constant 0 : i32
    %c0_i32_0 = arith.constant 0 : i32
    return %arg0, %c0_i32 : i32, i32
  }
}

module attributes {stable_mosaic.version = 14 : i64} {
  func.func @body(%arg0: i32, %arg1: memref<1000x2xf32, #tpu.memory_space<vmem>>, %arg2: memref<2x1000x128xf32, #tpu.memory_space<vmem>>, %arg3: memref<2x1000x128xf32, #tpu.memory_space<vmem>>, %arg4: memref<1000x128xf32, #tpu.memory_space<vmem>>, %arg5: memref<1000x128xf32, #tpu.memory_space<vmem>>, %arg6: memref<256x256xf32, #tpu.memory_space<vmem>>, %arg7: memref<1x256xf32, #tpu.memory_space<vmem>>, %arg8: memref<256x128xf32, #tpu.memory_space<vmem>>, %arg9: memref<1000x128xf32, #tpu.memory_space<vmem>>) attributes {dimension_semantics = [#tpu.dimension_semantics<arbitrary>], iteration_bounds = array<i64: 10>, scalar_prefetch = 0 : i64, scratch_operands = 0 : i64, tpu.core_type = #tpu.core_type<tc>, window_params = [{transform_indices = @transform_0, window_bounds = array<i64: 1000, 2>}, {transform_indices = @transform_1, window_bounds = array<i64: 2, 1000, 128>}, {transform_indices = @transform_2, window_bounds = array<i64: 2, 1000, 128>}, {transform_indices = @transform_3, window_bounds = array<i64: 1000, 128>}, {transform_indices = @transform_4, window_bounds = array<i64: 1000, 128>}, {pipeline_mode = #tpu.pipeline_mode<synchronous>, transform_indices = @transform_5, window_bounds = array<i64: 256, 256>}, {pipeline_mode = #tpu.pipeline_mode<synchronous>, transform_indices = @transform_6, window_bounds = array<i64: 1, 256>}, {pipeline_mode = #tpu.pipeline_mode<synchronous>, transform_indices = @transform_7, window_bounds = array<i64: 256, 128>}, {transform_indices = @transform_8, window_bounds = array<i64: 1000, 128>}]} {
    %get3A = arith.constant 0 : index
    %get3A_0 = arith.constant 0 : index
    %get3A_1 = vector.load %arg1[%get3A, %get3A_0] : memref<1000x2xf32, #tpu.memory_space<vmem>>, vector<1000x2xf32>
    %slice3A = vector.extract_strided_slice %get3A_1 {offsets = [0, 0], sizes = [1000, 1], strides = [1, 1]} : vector<1000x2xf32> to vector<1000x1xf32>
    %squeeze3A = vector.shape_cast %slice3A : vector<1000x1xf32> to vector<1000xf32>
    %slice3A_2 = vector.extract_strided_slice %get3A_1 {offsets = [0, 1], sizes = [1000, 1], strides = [1, 1]} : vector<1000x2xf32> to vector<1000x1xf32>
    %squeeze3A_3 = vector.shape_cast %slice3A_2 : vector<1000x1xf32> to vector<1000xf32>
    %add3A = arith.addf %squeeze3A, %squeeze3A_3 : vector<1000xf32>
    %add3A_4 = arith.constant 1.000000e+00 : f32
    %add3A_5 = vector.broadcast %add3A_4 : f32 to vector<1000xf32>
    %add3A_6 = arith.addf %add3A, %add3A_5 : vector<1000xf32>
    %rsqrt3A = math.rsqrt %add3A_6 : vector<1000xf32>
    %broadcast_in_dim3A = vector.shape_cast %rsqrt3A : vector<1000xf32> to vector<1000x1xf32>
    %get3A_7 = arith.constant 0 : index
    %get3A_8 = arith.constant 0 : index
    %get3A_9 = arith.constant 0 : index
    %get3A_10 = vector.load %arg2[%get3A_7, %get3A_8, %get3A_9] : memref<2x1000x128xf32, #tpu.memory_space<vmem>>, vector<1x1000x128xf32>
    %get3A_11 = vector.shape_cast %get3A_10 : vector<1x1000x128xf32> to vector<1000x128xf32>
    %get3A_12 = arith.constant 1 : index
    %get3A_13 = arith.constant 0 : index
    %get3A_14 = arith.constant 0 : index
    %get3A_15 = vector.load %arg2[%get3A_12, %get3A_13, %get3A_14] : memref<2x1000x128xf32, #tpu.memory_space<vmem>>, vector<1x1000x128xf32>
    %get3A_16 = vector.shape_cast %get3A_15 : vector<1x1000x128xf32> to vector<1000x128xf32>
    %add3A_17 = arith.addf %get3A_11, %get3A_16 : vector<1000x128xf32>
    %get3A_18 = arith.constant 0 : index
    %get3A_19 = arith.constant 0 : index
    %get3A_20 = vector.load %arg4[%get3A_18, %get3A_19] : memref<1000x128xf32, #tpu.memory_space<vmem>>, vector<1000x128xf32>
    %add3A_21 = arith.addf %add3A_17, %get3A_20 : vector<1000x128xf32>
    %mul3A = vector.broadcast %broadcast_in_dim3A : vector<1000x1xf32> to vector<1000x128xf32>
    %mul3A_22 = arith.mulf %mul3A, %add3A_21 : vector<1000x128xf32>
    %get3A_23 = arith.constant 0 : index
    %get3A_24 = arith.constant 0 : index
    %get3A_25 = arith.constant 0 : index
    %get3A_26 = vector.load %arg3[%get3A_23, %get3A_24, %get3A_25] : memref<2x1000x128xf32, #tpu.memory_space<vmem>>, vector<1x1000x128xf32>
    %get3A_27 = vector.shape_cast %get3A_26 : vector<1x1000x128xf32> to vector<1000x128xf32>
    %get3A_28 = arith.constant 1 : index
    %get3A_29 = arith.constant 0 : index
    %get3A_30 = arith.constant 0 : index
    %get3A_31 = vector.load %arg3[%get3A_28, %get3A_29, %get3A_30] : memref<2x1000x128xf32, #tpu.memory_space<vmem>>, vector<1x1000x128xf32>
    %get3A_32 = vector.shape_cast %get3A_31 : vector<1x1000x128xf32> to vector<1000x128xf32>
    %add3A_33 = arith.addf %get3A_27, %get3A_32 : vector<1000x128xf32>
    %get3A_34 = arith.constant 0 : index
    %get3A_35 = arith.constant 0 : index
    %get3A_36 = vector.load %arg5[%get3A_34, %get3A_35] : memref<1000x128xf32, #tpu.memory_space<vmem>>, vector<1000x128xf32>
    %add3A_37 = arith.addf %add3A_33, %get3A_36 : vector<1000x128xf32>
    %mul3A_38 = vector.broadcast %broadcast_in_dim3A : vector<1000x1xf32> to vector<1000x128xf32>
    %mul3A_39 = arith.mulf %mul3A_38, %add3A_37 : vector<1000x128xf32>
    %get3A_40 = arith.constant 0 : index
    %get3A_41 = arith.constant 0 : index
    %get3A_42 = vector.load %arg6[%get3A_40, %get3A_41] : memref<256x256xf32, #tpu.memory_space<vmem>>, vector<128x256xf32>
    %dot_general3A = arith.constant dense<0.000000e+00> : vector<1000x256xf32>
    %dot_general3A_43 = tpu.matmul %mul3A_22, %get3A_42, %dot_general3A {dimension_numbers = #tpu.dot_dimension_numbers<[1], [0], [0], [1], [0, 0, 1, 1], [], []>, transpose_lhs_hint = false} : vector<1000x128xf32>, vector<128x256xf32>, vector<1000x256xf32> -> vector<1000x256xf32>
    %get3A_44 = arith.constant 128 : index
    %get3A_45 = arith.constant 0 : index
    %get3A_46 = vector.load %arg6[%get3A_44, %get3A_45] : memref<256x256xf32, #tpu.memory_space<vmem>>, vector<128x256xf32>
    %dot_general3A_47 = arith.constant dense<0.000000e+00> : vector<1000x256xf32>
    %dot_general3A_48 = tpu.matmul %mul3A_39, %get3A_46, %dot_general3A_47 {dimension_numbers = #tpu.dot_dimension_numbers<[1], [0], [0], [1], [0, 0, 1, 1], [], []>, transpose_lhs_hint = false} : vector<1000x128xf32>, vector<128x256xf32>, vector<1000x256xf32> -> vector<1000x256xf32>
    %add3A_49 = arith.addf %dot_general3A_43, %dot_general3A_48 : vector<1000x256xf32>
    %get3A_50 = arith.constant 0 : index
    %get3A_51 = arith.constant 0 : index
    %get3A_52 = vector.load %arg7[%get3A_50, %get3A_51] : memref<1x256xf32, #tpu.memory_space<vmem>>, vector<1x256xf32>
    %add3A_53 = vector.broadcast %get3A_52 : vector<1x256xf32> to vector<1000x256xf32>
    %add3A_54 = arith.addf %add3A_49, %add3A_53 : vector<1000x256xf32>
    %max3A = arith.constant 0.000000e+00 : f32
    %max3A_55 = vector.broadcast %max3A : f32 to vector<1000x256xf32>
    %max3A_56 = arith.maximumf %add3A_54, %max3A_55 : vector<1000x256xf32>
    %get3A_57 = arith.constant 0 : index
    %get3A_58 = arith.constant 0 : index
    %get3A_59 = vector.load %arg8[%get3A_57, %get3A_58] : memref<256x128xf32, #tpu.memory_space<vmem>>, vector<256x128xf32>
    %dot_general3A_60 = arith.constant dense<0.000000e+00> : vector<1000x128xf32>
    %dot_general3A_61 = tpu.matmul %max3A_56, %get3A_59, %dot_general3A_60 {dimension_numbers = #tpu.dot_dimension_numbers<[1], [0], [0], [1], [0, 0, 1, 1], [], []>, transpose_lhs_hint = false} : vector<1000x256xf32>, vector<256x128xf32>, vector<1000x128xf32> -> vector<1000x128xf32>
    %mul3A_62 = vector.broadcast %broadcast_in_dim3A : vector<1000x1xf32> to vector<1000x128xf32>
    %mul3A_63 = arith.mulf %mul3A_62, %dot_general3A_61 : vector<1000x128xf32>
    %swap3A = arith.constant 0 : index
    %swap3A_64 = arith.constant 0 : index
    %swap3A_65 = vector.load %arg9[%swap3A, %swap3A_64] : memref<1000x128xf32, #tpu.memory_space<vmem>>, vector<1000x128xf32>
    tpu.vector_store %arg9[%swap3A, %swap3A_64], %mul3A_63 {strides = array<i32>} : memref<1000x128xf32, #tpu.memory_space<vmem>>, vector<1000x128xf32>,
    return
  }
  func.func @transform_0(%arg0: i32) -> (i32, i32) {
    %c0_i32 = arith.constant 0 : i32
    %c0_i32_0 = arith.constant 0 : i32
    return %arg0, %c0_i32 : i32, i32
  }
  func.func @transform_1(%arg0: i32) -> (i32, i32, i32) {
    %c0_i32 = arith.constant 0 : i32
    %c0_i32_0 = arith.constant 0 : i32
    %c0_i32_1 = arith.constant 0 : i32
    return %c0_i32, %arg0, %c0_i32_0 : i32, i32, i32
  }
  func.func @transform_2(%arg0: i32) -> (i32, i32, i32) {
    %c0_i32 = arith.constant 0 : i32
    %c0_i32_0 = arith.constant 0 : i32
    %c0_i32_1 = arith.constant 0 : i32
    return %c0_i32, %arg0, %c0_i32_0 : i32, i32, i32
  }
  func.func @transform_3(%arg0: i32) -> (i32, i32) {
    %c0_i32 = arith.constant 0 : i32
    %c0_i32_0 = arith.constant 0 : i32
    return %arg0, %c0_i32 : i32, i32
  }
  func.func @transform_4(%arg0: i32) -> (i32, i32) {
    %c0_i32 = arith.constant 0 : i32
    %c0_i32_0 = arith.constant 0 : i32
    return %arg0, %c0_i32 : i32, i32
  }
  func.func @transform_5(%arg0: i32) -> (i32, i32) {
    %c0_i32 = arith.constant 0 : i32
    %c0_i32_0 = arith.constant 0 : i32
    %c0_i32_1 = arith.constant 0 : i32
    return %c0_i32, %c0_i32_0 : i32, i32
  }
  func.func @transform_6(%arg0: i32) -> (i32, i32) {
    %c0_i32 = arith.constant 0 : i32
    %c0_i32_0 = arith.constant 0 : i32
    %c0_i32_1 = arith.constant 0 : i32
    return %c0_i32, %c0_i32_0 : i32, i32
  }
  func.func @transform_7(%arg0: i32) -> (i32, i32) {
    %c0_i32 = arith.constant 0 : i32
    %c0_i32_0 = arith.constant 0 : i32
    %c0_i32_1 = arith.constant 0 : i32
    return %c0_i32, %c0_i32_0 : i32, i32
  }
  func.func @transform_8(%arg0: i32) -> (i32, i32) {
    %c0_i32 = arith.constant 0 : i32
    %c0_i32_0 = arith.constant 0 : i32
    return %arg0, %c0_i32 : i32, i32
  }
}

module attributes {stable_mosaic.version = 14 : i64} {
  func.func @body(%arg0: i32, %arg1: memref<1000x2xf32, #tpu.memory_space<vmem>>, %arg2: memref<2x1000x128xf32, #tpu.memory_space<vmem>>, %arg3: memref<1000x128xf32, #tpu.memory_space<vmem>>, %arg4: memref<1x128xf32, #tpu.memory_space<vmem>>, %arg5: memref<1000x128xf32, #tpu.memory_space<vmem>>) attributes {dimension_semantics = [#tpu.dimension_semantics<arbitrary>], iteration_bounds = array<i64: 10>, scalar_prefetch = 0 : i64, scratch_operands = 0 : i64, tpu.core_type = #tpu.core_type<tc>, window_params = [{transform_indices = @transform_0, window_bounds = array<i64: 1000, 2>}, {transform_indices = @transform_1, window_bounds = array<i64: 2, 1000, 128>}, {transform_indices = @transform_2, window_bounds = array<i64: 1000, 128>}, {pipeline_mode = #tpu.pipeline_mode<synchronous>, transform_indices = @transform_3, window_bounds = array<i64: 1, 128>}, {transform_indices = @transform_4, window_bounds = array<i64: 1000, 128>}]} {
    %get3A = arith.constant 0 : index
    %get3A_0 = arith.constant 0 : index
    %get3A_1 = vector.load %arg1[%get3A, %get3A_0] : memref<1000x2xf32, #tpu.memory_space<vmem>>, vector<1000x2xf32>
    %slice3A = vector.extract_strided_slice %get3A_1 {offsets = [0, 0], sizes = [1000, 1], strides = [1, 1]} : vector<1000x2xf32> to vector<1000x1xf32>
    %squeeze3A = vector.shape_cast %slice3A : vector<1000x1xf32> to vector<1000xf32>
    %slice3A_2 = vector.extract_strided_slice %get3A_1 {offsets = [0, 1], sizes = [1000, 1], strides = [1, 1]} : vector<1000x2xf32> to vector<1000x1xf32>
    %squeeze3A_3 = vector.shape_cast %slice3A_2 : vector<1000x1xf32> to vector<1000xf32>
    %add3A = arith.addf %squeeze3A, %squeeze3A_3 : vector<1000xf32>
    %add3A_4 = arith.constant 1.000000e+00 : f32
    %add3A_5 = vector.broadcast %add3A_4 : f32 to vector<1000xf32>
    %add3A_6 = arith.addf %add3A, %add3A_5 : vector<1000xf32>
    %rsqrt3A = math.rsqrt %add3A_6 : vector<1000xf32>
    %broadcast_in_dim3A = vector.shape_cast %rsqrt3A : vector<1000xf32> to vector<1000x1xf32>
    %get3A_7 = arith.constant 0 : index
    %get3A_8 = arith.constant 0 : index
    %get3A_9 = arith.constant 0 : index
    %get3A_10 = vector.load %arg2[%get3A_7, %get3A_8, %get3A_9] : memref<2x1000x128xf32, #tpu.memory_space<vmem>>, vector<1x1000x128xf32>
    %get3A_11 = vector.shape_cast %get3A_10 : vector<1x1000x128xf32> to vector<1000x128xf32>
    %get3A_12 = arith.constant 1 : index
    %get3A_13 = arith.constant 0 : index
    %get3A_14 = arith.constant 0 : index
    %get3A_15 = vector.load %arg2[%get3A_12, %get3A_13, %get3A_14] : memref<2x1000x128xf32, #tpu.memory_space<vmem>>, vector<1x1000x128xf32>
    %get3A_16 = vector.shape_cast %get3A_15 : vector<1x1000x128xf32> to vector<1000x128xf32>
    %add3A_17 = arith.addf %get3A_11, %get3A_16 : vector<1000x128xf32>
    %get3A_18 = arith.constant 0 : index
    %get3A_19 = arith.constant 0 : index
    %get3A_20 = vector.load %arg3[%get3A_18, %get3A_19] : memref<1000x128xf32, #tpu.memory_space<vmem>>, vector<1000x128xf32>
    %add3A_21 = arith.addf %add3A_17, %get3A_20 : vector<1000x128xf32>
    %mul3A = vector.broadcast %broadcast_in_dim3A : vector<1000x1xf32> to vector<1000x128xf32>
    %mul3A_22 = arith.mulf %mul3A, %add3A_21 : vector<1000x128xf32>
    %get3A_23 = arith.constant 0 : index
    %get3A_24 = arith.constant 0 : index
    %get3A_25 = vector.load %arg4[%get3A_23, %get3A_24] : memref<1x128xf32, #tpu.memory_space<vmem>>, vector<1x128xf32>
    %add3A_26 = vector.broadcast %get3A_25 : vector<1x128xf32> to vector<1000x128xf32>
    %add3A_27 = arith.addf %mul3A_22, %add3A_26 : vector<1000x128xf32>
    %swap3A = arith.constant 0 : index
    %swap3A_28 = arith.constant 0 : index
    %swap3A_29 = vector.load %arg5[%swap3A, %swap3A_28] : memref<1000x128xf32, #tpu.memory_space<vmem>>, vector<1000x128xf32>
    tpu.vector_store %arg5[%swap3A, %swap3A_28], %add3A_27 {strides = array<i32>} : memref<1000x128xf32, #tpu.memory_space<vmem>>, vector<1000x128xf32>,
    return
  }
  func.func @transform_0(%arg0: i32) -> (i32, i32) {
    %c0_i32 = arith.constant 0 : i32
    %c0_i32_0 = arith.constant 0 : i32
    return %arg0, %c0_i32 : i32, i32
  }
  func.func @transform_1(%arg0: i32) -> (i32, i32, i32) {
    %c0_i32 = arith.constant 0 : i32
    %c0_i32_0 = arith.constant 0 : i32
    %c0_i32_1 = arith.constant 0 : i32
    return %c0_i32, %arg0, %c0_i32_0 : i32, i32, i32
  }
  func.func @transform_2(%arg0: i32) -> (i32, i32) {
    %c0_i32 = arith.constant 0 : i32
    %c0_i32_0 = arith.constant 0 : i32
    return %arg0, %c0_i32 : i32, i32
  }
  func.func @transform_3(%arg0: i32) -> (i32, i32) {
    %c0_i32 = arith.constant 0 : i32
    %c0_i32_0 = arith.constant 0 : i32
    %c0_i32_1 = arith.constant 0 : i32
    return %c0_i32, %c0_i32_0 : i32, i32
  }
  func.func @transform_4(%arg0: i32) -> (i32, i32) {
    %c0_i32 = arith.constant 0 : i32
    %c0_i32_0 = arith.constant 0 : i32
    return %arg0, %c0_i32 : i32, i32
  }
}

</mosaic_0001>

<sc_bundles>
// kernel: kernel.11.cloned.1.call-start
scs
__scs_entry_jumppad:
0x0: {  	(pc) =	sbr.rel $0x88, $3  }
0x1: {  	(tag) =	ssettag $0x0;
	lr =	simm.s32 $0x1  }
0x2: {  	[smem:$0x3F99] =	sst lr;
	_ =	strace $0xD0000000  }
0x3: {  	_ = 	snop  }
0x4: {  	_ = 	snop  }
0x5: {  	_ = 	snop  }
0x6: {  	_ = 	snop  }
0x7: {  	_ = 	snop  }
__scs_overlays_trampoline_lowered:
0x8: {  	[smem:$0x3FA8] =	sst s0  }
0x9: {  	[smem:$0x3FA9] =	sst s1  }
0xa: {  	[smem:$0x3FAA] =	sst s2  }
0xb: {  	[smem:$0x3FAB] =	sst s3  }
0xc: {  	[smem:$0x3FAC] =	sst s4  }
0xd: {  	[smem:$0x3FAD] =	sst s5  }
0xe: {  	[smem:$0x3FAE] =	sst s6  }
0xf: {  	[smem:$0x3FAF] =	sst s7  }
0x10: {  	[smem:$0x3FB0] =	sst s8  }
0x11: {  	[smem:$0x3FB1] =	sst s9;
	s0 =	simm.s32 @!p0 $0x0  }
0x12: {  	s1 =	sld [smem:$0x3F97];
	s0 =	simm.s32 @p0 $0x1  }
0x13: {  	[smem:$0x3FB2] =	sst s0;
	s0 =	simm.s32 @!p1 $0x0  }
0x14: {  	s2 =	sld [smem:$0x3F96];
	s0 =	simm.s32 @p1 $0x1  }
0x15: {  	[smem:$0x3FB3] =	sst s0;
	s0 =	simm.s32 @!p2 $0x0  }
0x16: {  	s3 =	sld [smem:$0x3FDB];
	s0 =	simm.s32 @p2 $0x1  }
0x17: {  	s4 =	simm.s32 $0x1BF5;
	[smem:$0x3FB5] =	sst s0  }
0x18: {  	s0 =	sld [smem:$0x3F98];
	_ =	swait.ge [sflag:s4], $0x0  }
0x19: {  	s7 =	sld [smem:$0x3F99]  }
0x1a: {  	s8 =	sadd.s32 $0xFFFFE003, lr  }
0x1b: {  	s9 =	sadd.s32 $0xFFFFFEF7, lr;
	s5 =	simm.s32 $0xFFFFFFFF;
	p2 =	slt.u32 s8, $0xFFFFF086  }
0x1c: {  	p1 =	slt.u32 s9, $0xF7A;
	s5 =	simm.s32 @!p2 $0x0  }
0x1d: {  	s5 =	simm.s32 @p1 $0x1;
	p0 =	seq.s32 s7, s2  }
0x1e: {  	s7 =	smul.u32 @!p0 $0xF7A, s2;
	p2 =	seq.s32 @!p0 s5, $0x0  }
0x1f: {  	s9 =	smul.u32 $0xF7A, s1;
	s8 =	simm.s32 @!p0 $0x1BF5;
	p2 =	por !p2, p0  }
0x20: {  	[sflag:s8] =	ssyncset.s32 @!p0 $0xFFFFF086;
	s6 =	sadd.s32 @!p0 s3, s7;
	s7 =	simm.s32 @!p0 $0x108  }
0x21: {  	s3 =	sadd.s32 s3, s9;
	s6 =	sadd.s32 @!p0 $0x88, s6;
	s7 =	simm.s32 @p2 $0x1082  }
0x22: {  	[simem:s7], [sflag:s8] =	dma.local @!p0 [hbm:s6], $0xF7A  }
0x23: {  	s9 =	sor.u32 $0xD0000000, s2;
	s6 =	simm.s32 $0x108;
	_ =	swait.ge @!p0 [sflag:s8], $0x0  }
0x24: {  	s3 =	sadd.s32 $0x88, s3;
	s6 =	simm.s32 @!p1 $0x1082;
	[sflag:s4] =	ssyncset.s32 $0xFFFFF086  }
0x25: {  	[simem:s6], [sflag:s4] =	dma.local [hbm:s3], $0xF7A  }
0x26: {  	[smem:$0x3F99] =	sst s1;
	(tag) =	ssettag s2;
	_ =	strace s9  }
0x27: {  	s1 =	sld [smem:$0x3FA9]  }
0x28: {  	s2 =	sld [smem:$0x3FAA]  }
0x29: {  	s4 =	sld [smem:$0x3FAC]  }
0x2a: {  	p0 =	seq.s32 s5, $0x0;
	s5 =	sld [smem:$0x3FAD]  }
0x2b: {  	s6 =	sld [smem:$0x3FAE]  }
0x2c: {  	s7 =	sld [smem:$0x3FAF]  }
0x2d: {  	s3 =	simm.s32 $0x108;
	s8 =	sld [smem:$0x3FB0]  }
0x2e: {  	s3 =	simm.s32 @!p0 $0x1082;
	s9 =	sld [smem:$0x3FB1]  }
0x2f: {  	lr =	sadd.s32 s0, s3;
	s0 =	sld [smem:$0x3FA8]  }
0x30: {  	s3 =	sld [smem:$0x3FAB]  }
0x31: {  	[smem:$0x3FB4] =	sst s10  }
0x32: {  	s10 =	sld [smem:$0x3FB2];
	_ =	sdelay $0x3  }
0x33: {  	p0 =	seq.s32 s10, $0x1;
	s10 =	sld [smem:$0x3FB4];
	_ =	sdelay $0x3  }
0x34: {  	[smem:$0x3FB4] =	sst s10  }
0x35: {  	s10 =	sld [smem:$0x3FB3];
	_ =	sdelay $0x3  }
0x36: {  	p1 =	seq.s32 s10, $0x1;
	s10 =	sld [smem:$0x3FB4];
	_ =	sdelay $0x3  }
0x37: {  	[smem:$0x3FB4] =	sst s10  }
0x38: {  	s10 =	sld [smem:$0x3FB5]  }
0x39: {  	_ = 	snop;
	(pc) =	sbr.ind lr, $3  }
0x3a: {  	_ = 	snop  }
0x3b: {  	_ = 	snop  }
0x3c: {  	p2 =	seq.s32 s10, $0x1;
	s10 =	sld [smem:$0x3FB4]  }
0x3d: {  	_ =	shalt  }
0x3e: {  	_ =	shalt  }
0x3f: {  	_ =	shalt  }
0x40: {  	_ =	shalt  }
0x41: {  	_ =	shalt  }
0x42: {  	_ =	shalt  }
0x43: {  	_ =	shalt  }
0x44: {  	_ =	shalt  }
0x45: {  	_ =	shalt  }
0x46: {  	_ =	shalt  }
0x47: {  	_ =	shalt  }
0x48: {  	_ =	shalt  }
0x49: {  	_ =	shalt  }
0x4a: {  	_ =	shalt  }
0x4b: {  	_ =	shalt  }
0x4c: {  	_ =	shalt  }
0x4d: {  	_ =	shalt  }
0x4e: {  	_ =	shalt  }
0x4f: {  	_ =	shalt  }
0x50: {  	_ =	shalt  }
0x51: {  	_ =	shalt  }
0x52: {  	_ =	shalt  }
0x53: {  	_ =	shalt  }
0x54: {  	_ =	shalt  }
0x55: {  	_ =	shalt  }
0x56: {  	_ =	shalt  }
0x57: {  	_ =	shalt  }
0x58: {  	_ =	shalt  }
0x59: {  	_ =	shalt  }
0x5a: {  	_ =	shalt  }
0x5b: {  	_ =	shalt  }
0x5c: {  	_ =	shalt  }
0x5d: {  	_ =	shalt  }
0x5e: {  	_ =	shalt  }
0x5f: {  	_ =	shalt  }
0x60: {  	_ =	shalt  }
0x61: {  	_ =	shalt  }
0x62: {  	_ =	shalt  }
0x63: {  	_ =	shalt  }
0x64: {  	_ =	shalt  }
0x65: {  	_ =	shalt  }
0x66: {  	_ =	shalt  }
0x67: {  	_ =	shalt  }
0x68: {  	_ =	shalt  }
0x69: {  	_ =	shalt  }
0x6a: {  	_ =	shalt  }
0x6b: {  	_ =	shalt  }
0x6c: {  	_ =	shalt  }
0x6d: {  	_ =	shalt  }
0x6e: {  	_ =	shalt  }
0x6f: {  	_ =	shalt  }
0x70: {  	_ =	shalt  }
0x71: {  	_ =	shalt  }
0x72: {  	_ =	shalt  }
0x73: {  	_ =	shalt  }
0x74: {  	_ =	shalt  }
0x75: {  	_ =	shalt  }
0x76: {  	_ =	shalt  }
0x77: {  	_ =	shalt  }
0x78: {  	_ =	shalt  }
0x79: {  	_ =	shalt  }
0x7a: {  	_ =	shalt  }
0x7b: {  	_ =	shalt  }
0x7c: {  	_ =	shalt  }
0x7d: {  	_ =	shalt  }
0x7e: {  	_ =	shalt  }
0x7f: {  	_ =	shalt  }
0x80: {  	_ =	shalt  }
0x81: {  	_ =	shalt  }
0x82: {  	_ =	shalt  }
0x83: {  	_ =	shalt  }
0x84: {  	_ =	shalt  }
0x85: {  	_ =	shalt  }
0x86: {  	_ =	shalt  }
0x87: {  	_ =	shalt  }
.Lfunc_end0:
.L_simem_size_0:
called_computation_lowered:
.L_overlay_start_0:
0x88: {  	s2 =	sld [smem:$0x3FD9]  }
0x89: {  	s3 =	sld [smem:$0x3FFE];
	_ =	sdelay $0x1  }
0x8a: {  	s1 =	srdreg.scid  }
0x8b: {  	s0 =	sand.u32 $0x1, s1  }
0x8c: {  	s17 =	sshll.u32 s0, $0xA;
	s2 =	sadd.s32 s3, s2  }
0x8d: {  	s2 =	sadd.s32 s2, s17  }
0x8e: {  	[smem:$0x3FC0] =	sst s2  }
0x8f: {  	_ = 	snop  }
0x90: {  	s2 =	sld [smem:$0x3FD0];
	(tm) =	ssettm $0x1  }
0x91: {  	s18 =	sld [smem:$0x3FFB];
	_ =	sdelay $0x3  }
0x92: {  	_ =	strace s18  }
0x93: {  	s3 =	sld [smem:$0x3FFC];
	_ =	sdelay $0x3  }
0x94: {  	_ =	strace s3  }
0x95: {  	s3 =	sld [smem:$0x3FFD];
	_ =	sdelay $0x3  }
0x96: {  	_ =	strace s3  }
0x97: {  	_ =	strace $0x8FFFFFFF  }
0x98: {  	s19 =	sld [smem:$0x3FDB];
	_ =	sdelay $0x1  }
0x99: {  	s4 =	simm.s32 $_scs_section_size  }
0x9a: {  	s5 =	simm.s32 $_size__tile_overlayer_lowered;
	s6 =	simm.s32 $_tile_overlayer_lowered  }
0x9b: {  	s22 =	simm.s32 $0x1BFF;
	s21 =	sshll.u32 s6, $0x1;
	s3 =	sadd.s32 s4, s19  }
0x9c: {  	s7 =	simm.s32 $0x0;
	s20 =	sshll.u32 s5, $0x1;
	s5 =	sadd.s32 s21, s3  }
0x9d: {  	[timem:s7], [sflag:s22] =	dma.local [hbm:s5], s20  }
0x9e: {  	_ =	swait.ge [sflag:s22], s20  }
0x9f: {  	s4 =	ssub.s32 $0x0, s20;
	[sflag:s22] =	ssyncset.done $0x0  }
0xa0: {  	[sflag:s22] =	ssyncadd.s32 s4;
	_ =	sdelay $0x1  }
0xa1: {  	s23 =	simm.s32 $0x1B8B  }
0xa2: {  	_ =	swait.ge [sflag:s23], $0x1  }
0xa3: {  	[sflag:s23] =	ssyncset.done $0x0  }
0xa4: {  	s25 =	simm.s32 $0x1B8E;
	s24 =	sld [smem:$0x3FFE];
	[sflag:s23] =	ssyncadd.s32 $0xFFFFFFFF  }
0xa5: {  	s26 =	simm.s32 $execute0_lowered;
	[smem:$0x3FD2] =	sst s25  }
0xa6: {  	s5 =	sshll.u32 s26, $0x1;
	_ =	strace $0x80000046;
	[dreg:$0x1] =	wrdreg $0xFFFFFFFF  }
0xa7: {  	s28 =	simm.s32 $_size_execute0_lowered;
	s3 =	sadd.s32 s3, s5;
	[dreg:$0x0] =	wrdreg $0x0  }
0xa8: {  	s5 =	sshll.u32 s28, $0x1;
	[dreg:$0x2] =	wrdreg s3  }
0xa9: {  	[dreg:$0x3] =	wrdreg s5  }
0xaa: {  	[dreg:$0x4] =	wrdreg $0xC0  }
0xab: {  	_ =	task [dreg:s7], $0x5FFFF  }
0xac: {  	[dreg:$0x1] =	wrdreg $0xFFFFFFFF  }
0xad: {  	[dreg:$0x0] =	wrdreg $0x60  }
0xae: {  	[dreg:$0x2] =	wrdreg s2  }
0xaf: {  	[dreg:$0x3] =	wrdreg s24  }
0xb0: {  	[dreg:$0x4] =	wrdreg $0x1000  }
0xb1: {  	[dreg:$0x5] =	wrdreg $0x9  }
0xb2: {  	_ =	task.clear_ibuf [dreg:s7], $0x6FFFF;
	_ =	strace $0x90000046  }
0xb3: {  	s29 =	simm.s32 $0x9;
	_ =	strace $0x80000048  }
0xb4: {  	_ =	swait.ge [sflag:s29], $0x1  }
0xb5: {  	[sflag:s29] =	ssyncadd.s32 $0xFFFFFFFF  }
0xb6: {  	_ =	strace $0x90000048  }
0xb7: {  	_ =	sfence  }
0xb8: {  	s30 =	sld [smem:$0x0];
	_ =	sdelay $0x2  }
0xb9: {  	s31 =	sshll.u32 s1, $0xD;
	s1 =	sshrl.u32 s1, $0x2  }
0xba: {  	s3 =	sand.u32 $0x4000, s31;
	s1 =	sadd.s32 s1, s30  }
0xbb: {  	s0 =	sor.u32 s3, s0;
	s1 =	sshll.u32 s1, $0x11  }
0xbc: {  	s0 =	sor.u32 s1, s0  }
0xbd: {  	s0 =	sadd.s32 $0x8F2B, s0  }
0xbe: {  	[sflag:s0] =	ssyncadd.remote.s32 $0x1  }
0xbf: {  	_ =	sfence.sel $0xFFFF  }
0xc0: {  	[dreg:$0x0] =	wrdreg $0xFFFFFFFF;
	(pc) =	sbr.abs _section_cstart, $3  }
0xc1: {  	[dreg:$0x1] =	wrdreg $0xFFFFFFFF  }
0xc2: {  	_ =	task.clear_ibuf [dreg:s7], $0x2FFFF;
	_ =	strace $0x9FFFFFFF  }
0xc3: {  	(tm) =	ssettm $0x7FFFFFFF  }
tec
execute0_lowered:
.L_overlay_start_1:
0x0: {  	(tag) =	ssettag $0x1  }
0x1: {  	s6 =	rddreg [dreg:$0x0]  }
0x2: {  	s4 =	rddreg [dreg:$0x1]  }
0x3: {  	s2 =	rddreg [dreg:$0x2]  }
0x4: {  	s0 =	rddreg [dreg:$0x3]  }
0x5: {  	s1 =	stileid.u32;
	s3 =	simm.s32 $0x0;
	s7 =	srdreg.scid  }
0x6: {  	s13 =	simm.s32 $0x10;
	s14 =	simm.s32 $0x0;
	s5 =	smul.u32 $0x280, s1  }
0x7: {  	[smem:$0x7FF] =	sst s3;
	s7 =	sand.u32 $0x1, s7;
	s8 =	smul.u32 $0x500, s1  }
0x8: {  	s30 =	sshll.u32 s1, $0x6;
	s12 =	smul.u32 $0x4F0, s1;
	_ =	strace $0x80000047  }
0x9: {  	s9 =	sshll.u32 s7, $0x7;
	s28 =	ssub.s32 $0x2, s7;
	s7 =	smul.u32 $0x4F00, s7  }
0xa: {  	s10 =	sshrl.u32 s5, $0x3;
	s8 =	sor.u32 s9, s8;
	s11 =	sshrl.u32 s28, $0x1  }
0xb: {  	s29 =	sadd.s32 s5, s2;
	s5 =	sor.u32 $0x1C01, s30;
	s10 =	sadd.s32 s10, s4  }
0xc: {  	s8 =	sshrl.u32 s8, $0x3;
	s9 =	ssub.s32 s28, s11;
	s31 =	sadd.s32 s7, s6  }
0xd: {  	s11 =	simm.s32 $0x80;
	s8 =	sadd.s32 s8, s4;
	s4 =	sadd.s32 $0x4200, s10  }
0xe: {  	s7 =	smax.u32 s9, $0x1;
	s9 =	sshrl.u32 s29, $0x3;
	s10 =	simm.s32 $0x1  }
0xf: {  	v0 =	vimm.f32 $1.000000000e+00;
	s6 =	sadd.s32 $0x4800, s8;
	s8 =	sadd.s32 s12, s31;
	s12 =	simm.s32 $0x20  }
.LBB2_1:
0x10: {  	[spmem:s9], [sflag:s5] =	dma.local [hbm:s4], $0x50  }
0x11: {  	_ =	swait.ge [sflag:s10], $0x50  }
0x12: {  	[sflag:s10] =	ssyncset.done $0x0  }
0x13: {  	[sflag:s10] =	ssyncadd.s32 $0xFFFFFFB0  }
0x14: {  	[tilespmem:$0x80] =	vst v0  }
0x15: {  	[tilespmem:$0x90] =	vst v0  }
0x16: {  	[tilespmem:$0xA0] =	vst v0  }
0x17: {  	[tilespmem:$0xB0] =	vst v0  }
0x18: {  	[tilespmem:$0xC0] =	vst v0  }
0x19: {  	[tilespmem:$0xD0] =	vst v0  }
0x1a: {  	[tilespmem:$0xE0] =	vst v0  }
0x1b: {  	[tilespmem:$0xF0] =	vst v0  }
0x1c: {  	s15 =	sadd.s32 $0x0, s8;
	[bflag:$0x0] =	sbarrier.arrive $0xFFFF  }
0x1d: {  	[tilespmem:s3], [sflag:$0x1] =	stream.linear.gather [hbm4b:s15+s3], $0x80, $0x38;
	[tilespmem:$0x380] =	vst v63  }
0x1e: {  	_ =	swait.ge [sflag:s10], $0x80  }
0x1f: {  	[sflag:s10] =	ssyncset.done $0x0  }
0x20: {  	[sflag:s10] =	ssyncadd.s32 $0xFFFFFF80  }
0x21: {  	[spmem:s2] =	stream.indirect.scatter.add.f32 [tilespmem:s11], [sflag:$0x1], $0x1, s3, s11, $0xb8;
	[tilespmem:$0x380] =	vst v63  }
0x22: {  	_ =	swait.ge [sflag:s10], $0x80  }
0x23: {  	s16 =	simm.s32 $0x20;
	s15 =	simm.s32 $0x10;
	[sflag:s10] =	ssyncset.done $0x0  }
.LBB2_2:
0x24: {  	s17 =	sadd.s32 s15, s8  }
0x25: {  	[sflag:s10] =	ssyncadd.s32 $0xFFFFFF80;
	s15 =	smov.u32 s16;
	s18 =	sadd.s32 $0x10, s16  }
0x26: {  	[tilespmem:s3], [sflag:$0x1] =	stream.linear.gather [hbm4b:s17+s3], $0x80, $0x38;
	[tilespmem:$0x380] =	vst v63  }
0x27: {  	p0 =	sne.s32 s16, $0x4E0;
	_ =	swait.ge [sflag:s10], $0x80  }
.Ltmp0:
0x28: {  	[sflag:s10] =	ssyncset.done $0x0;
	(pc) =	sbr.rel @p0 .LBB2_2-.Ltmp0, $4  }
0x29: {  	[sflag:s10] =	ssyncadd.s32 $0xFFFFFF80  }
0x2a: {  	[spmem:s2] =	stream.indirect.scatter.add.f32 [tilespmem:s11], [sflag:$0x1], $0x1, s3, s11, $0xb8;
	[tilespmem:$0x380] =	vst v63  }
0x2b: {  	_ =	swait.ge [sflag:s10], $0x80  }
0x2c: {  	s16 =	smov.u32 s18;
	[sflag:s10] =	ssyncset.done $0x0  }
0x2d: {  	s15 =	sadd.s32 s15, s8;
	[sflag:s10] =	ssyncadd.s32 $0xFFFFFF80  }
0x2e: {  	[tilespmem:s3], [sflag:$0x1] =	stream.linear.gather [hbm4b:s15+s3], $0x80, $0x38;
	[tilespmem:$0x380] =	vst v63  }
0x2f: {  	_ =	swait.ge [sflag:s10], $0x80  }
0x30: {  	[sflag:s10] =	ssyncset.done $0x0  }
0x31: {  	[sflag:s10] =	ssyncadd.s32 $0xFFFFFF80  }
0x32: {  	[spmem:s2] =	stream.indirect.scatter.add.f32 [tilespmem:s11], [sflag:$0x1], $0x1, s3, s11, $0xb8;
	[tilespmem:$0x380] =	vst v63  }
0x33: {  	_ =	swait.ge [sflag:s10], $0x80  }
0x34: {  	s14 =	sadd.s32 $0x1, s14;
	[sflag:s10] =	ssyncset.done $0x0  }
0x35: {  	p0 =	sne.s32 s14, s7;
	[sflag:s10] =	ssyncadd.s32 $0xFFFFFF80  }
.Ltmp1:
0x36: {  	[bflag:$0x0] =	sbarrier.arrive $0xFFFF;
	(pc) =	sbr.rel @p0 .LBB2_1-.Ltmp1, $4  }
0x37: {  	[hbm:s6@s12], [sflag:s5] =	dma.strided [spmem:s9@s13], $0x50, s10, $0x10   }
0x38: {  	_ =	swait.ge [sflag:s10], $0x50  }
0x39: {  	[sflag:s10] =	ssyncset.done $0x0  }
0x3a: {  	[sflag:s10] =	ssyncadd.s32 $0xFFFFFFB0  }
0x3b: {  	_ =	sfence.sel $0x180000  }
0x3c: {  	[bflag:$0x0] =	sbarrier.arrive $0xFFFF  }
0x3d: {  	p0 =	sne.s32 s1, $0x0;
	_ =	strace $0x90000047  }
0x3e: {  	s0 =	sadd.s32 @!p0 $0x100000, s0;
	[bflag:$0x2] =	sbarrier.arrive $0xFFFF  }
0x3f: {  	[sflag:s0] =	ssyncadd.tile.s32 @!p0 $0x1;
	_ =	shalt  }
.Lfunc_end2:
_tile_overlayer_lowered:
.L_overlay_start_2:
0x40: {  	(tag) =	ssettag $0x2  }
0x41: {  	s0 =	rddreg [dreg:$0x0];
	s2 =	stileid.u32  }
0x42: {  	s1 =	rddreg [dreg:$0x1];
	p0 =	sne.s32 s2, $0x0  }
0x43: {  	s3 =	rddreg [dreg:$0x2];
	[bflag:$0x3] =	sbarrier.arrive $0xFFFF;
	s2 =	simm.s32 @!p0 $0x1C01  }
0x44: {  	[timem:s3], [sflag:s2] =	dma.local @!p0 [hbm:s0], s1  }
0x45: {  	s0 =	simm.s32 @!p0 $0x1  }
0x46: {  	_ =	swait.ge @!p0 [sflag:s0], s1  }
0x47: {  	s1 =	ssub.s32 @!p0 $0x0, s1;
	[sflag:s0] =	ssyncset.done @!p0 $0x0  }
0x48: {  	[sflag:s0] =	ssyncadd.s32 @!p0 s1  }
0x49: {  	[bflag:$0x3] =	sbarrier.arrive $0xFFFF  }
0x4a: {  	_ =	shalt  }

// kernel: kernel.14.cloned.1.call-start
scs
__scs_entry_jumppad:
0x0: {  	(pc) =	sbr.rel $0x88, $3  }
0x1: {  	(tag) =	ssettag $0x0;
	lr =	simm.s32 $0x1  }
0x2: {  	[smem:$0x3F99] =	sst lr;
	_ =	strace $0xD0000000  }
0x3: {  	_ = 	snop  }
0x4: {  	_ = 	snop  }
0x5: {  	_ = 	snop  }
0x6: {  	_ = 	snop  }
0x7: {  	_ = 	snop  }
__scs_overlays_trampoline_lowered:
0x8: {  	[smem:$0x3FA8] =	sst s0  }
0x9: {  	[smem:$0x3FA9] =	sst s1  }
0xa: {  	[smem:$0x3FAA] =	sst s2  }
0xb: {  	[smem:$0x3FAB] =	sst s3  }
0xc: {  	[smem:$0x3FAC] =	sst s4  }
0xd: {  	[smem:$0x3FAD] =	sst s5  }
0xe: {  	[smem:$0x3FAE] =	sst s6  }
0xf: {  	[smem:$0x3FAF] =	sst s7  }
0x10: {  	[smem:$0x3FB0] =	sst s8  }
0x11: {  	[smem:$0x3FB1] =	sst s9;
	s0 =	simm.s32 @!p0 $0x0  }
0x12: {  	s1 =	sld [smem:$0x3F97];
	s0 =	simm.s32 @p0 $0x1  }
0x13: {  	[smem:$0x3FB2] =	sst s0;
	s0 =	simm.s32 @!p1 $0x0  }
0x14: {  	s2 =	sld [smem:$0x3F96];
	s0 =	simm.s32 @p1 $0x1  }
0x15: {  	[smem:$0x3FB3] =	sst s0;
	s0 =	simm.s32 @!p2 $0x0  }
0x16: {  	s3 =	sld [smem:$0x3FDB];
	s0 =	simm.s32 @p2 $0x1  }
0x17: {  	s4 =	simm.s32 $0x1BF5;
	[smem:$0x3FB5] =	sst s0  }
0x18: {  	s0 =	sld [smem:$0x3F98];
	_ =	swait.ge [sflag:s4], $0x0  }
0x19: {  	s7 =	sld [smem:$0x3F99]  }
0x1a: {  	s8 =	sadd.s32 $0xFFFFE003, lr  }
0x1b: {  	s9 =	sadd.s32 $0xFFFFFEF7, lr;
	s5 =	simm.s32 $0xFFFFFFFF;
	p2 =	slt.u32 s8, $0xFFFFF086  }
0x1c: {  	p1 =	slt.u32 s9, $0xF7A;
	s5 =	simm.s32 @!p2 $0x0  }
0x1d: {  	s5 =	simm.s32 @p1 $0x1;
	p0 =	seq.s32 s7, s2  }
0x1e: {  	s7 =	smul.u32 @!p0 $0xF7A, s2;
	p2 =	seq.s32 @!p0 s5, $0x0  }
0x1f: {  	s9 =	smul.u32 $0xF7A, s1;
	s8 =	simm.s32 @!p0 $0x1BF5;
	p2 =	por !p2, p0  }
0x20: {  	[sflag:s8] =	ssyncset.s32 @!p0 $0xFFFFF086;
	s6 =	sadd.s32 @!p0 s3, s7;
	s7 =	simm.s32 @!p0 $0x108  }
0x21: {  	s3 =	sadd.s32 s3, s9;
	s6 =	sadd.s32 @!p0 $0x88, s6;
	s7 =	simm.s32 @p2 $0x1082  }
0x22: {  	[simem:s7], [sflag:s8] =	dma.local @!p0 [hbm:s6], $0xF7A  }
0x23: {  	s9 =	sor.u32 $0xD0000000, s2;
	s6 =	simm.s32 $0x108;
	_ =	swait.ge @!p0 [sflag:s8], $0x0  }
0x24: {  	s3 =	sadd.s32 $0x88, s3;
	s6 =	simm.s32 @!p1 $0x1082;
	[sflag:s4] =	ssyncset.s32 $0xFFFFF086  }
0x25: {  	[simem:s6], [sflag:s4] =	dma.local [hbm:s3], $0xF7A  }
0x26: {  	[smem:$0x3F99] =	sst s1;
	(tag) =	ssettag s2;
	_ =	strace s9  }
0x27: {  	s1 =	sld [smem:$0x3FA9]  }
0x28: {  	s2 =	sld [smem:$0x3FAA]  }
0x29: {  	s4 =	sld [smem:$0x3FAC]  }
0x2a: {  	p0 =	seq.s32 s5, $0x0;
	s5 =	sld [smem:$0x3FAD]  }
0x2b: {  	s6 =	sld [smem:$0x3FAE]  }
0x2c: {  	s7 =	sld [smem:$0x3FAF]  }
0x2d: {  	s3 =	simm.s32 $0x108;
	s8 =	sld [smem:$0x3FB0]  }
0x2e: {  	s3 =	simm.s32 @!p0 $0x1082;
	s9 =	sld [smem:$0x3FB1]  }
0x2f: {  	lr =	sadd.s32 s0, s3;
	s0 =	sld [smem:$0x3FA8]  }
0x30: {  	s3 =	sld [smem:$0x3FAB]  }
0x31: {  	[smem:$0x3FB4] =	sst s10  }
0x32: {  	s10 =	sld [smem:$0x3FB2];
	_ =	sdelay $0x3  }
0x33: {  	p0 =	seq.s32 s10, $0x1;
	s10 =	sld [smem:$0x3FB4];
	_ =	sdelay $0x3  }
0x34: {  	[smem:$0x3FB4] =	sst s10  }
0x35: {  	s10 =	sld [smem:$0x3FB3];
	_ =	sdelay $0x3  }
0x36: {  	p1 =	seq.s32 s10, $0x1;
	s10 =	sld [smem:$0x3FB4];
	_ =	sdelay $0x3  }
0x37: {  	[smem:$0x3FB4] =	sst s10  }
0x38: {  	s10 =	sld [smem:$0x3FB5]  }
0x39: {  	_ = 	snop;
	(pc) =	sbr.ind lr, $3  }
0x3a: {  	_ = 	snop  }
0x3b: {  	_ = 	snop  }
0x3c: {  	p2 =	seq.s32 s10, $0x1;
	s10 =	sld [smem:$0x3FB4]  }
0x3d: {  	_ =	shalt  }
0x3e: {  	_ =	shalt  }
0x3f: {  	_ =	shalt  }
0x40: {  	_ =	shalt  }
0x41: {  	_ =	shalt  }
0x42: {  	_ =	shalt  }
0x43: {  	_ =	shalt  }
0x44: {  	_ =	shalt  }
0x45: {  	_ =	shalt  }
0x46: {  	_ =	shalt  }
0x47: {  	_ =	shalt  }
0x48: {  	_ =	shalt  }
0x49: {  	_ =	shalt  }
0x4a: {  	_ =	shalt  }
0x4b: {  	_ =	shalt  }
0x4c: {  	_ =	shalt  }
0x4d: {  	_ =	shalt  }
0x4e: {  	_ =	shalt  }
0x4f: {  	_ =	shalt  }
0x50: {  	_ =	shalt  }
0x51: {  	_ =	shalt  }
0x52: {  	_ =	shalt  }
0x53: {  	_ =	shalt  }
0x54: {  	_ =	shalt  }
0x55: {  	_ =	shalt  }
0x56: {  	_ =	shalt  }
0x57: {  	_ =	shalt  }
0x58: {  	_ =	shalt  }
0x59: {  	_ =	shalt  }
0x5a: {  	_ =	shalt  }
0x5b: {  	_ =	shalt  }
0x5c: {  	_ =	shalt  }
0x5d: {  	_ =	shalt  }
0x5e: {  	_ =	shalt  }
0x5f: {  	_ =	shalt  }
0x60: {  	_ =	shalt  }
0x61: {  	_ =	shalt  }
0x62: {  	_ =	shalt  }
0x63: {  	_ =	shalt  }
0x64: {  	_ =	shalt  }
0x65: {  	_ =	shalt  }
0x66: {  	_ =	shalt  }
0x67: {  	_ =	shalt  }
0x68: {  	_ =	shalt  }
0x69: {  	_ =	shalt  }
0x6a: {  	_ =	shalt  }
0x6b: {  	_ =	shalt  }
0x6c: {  	_ =	shalt  }
0x6d: {  	_ =	shalt  }
0x6e: {  	_ =	shalt  }
0x6f: {  	_ =	shalt  }
0x70: {  	_ =	shalt  }
0x71: {  	_ =	shalt  }
0x72: {  	_ =	shalt  }
0x73: {  	_ =	shalt  }
0x74: {  	_ =	shalt  }
0x75: {  	_ =	shalt  }
0x76: {  	_ =	shalt  }
0x77: {  	_ =	shalt  }
0x78: {  	_ =	shalt  }
0x79: {  	_ =	shalt  }
0x7a: {  	_ =	shalt  }
0x7b: {  	_ =	shalt  }
0x7c: {  	_ =	shalt  }
0x7d: {  	_ =	shalt  }
0x7e: {  	_ =	shalt  }
0x7f: {  	_ =	shalt  }
0x80: {  	_ =	shalt  }
0x81: {  	_ =	shalt  }
0x82: {  	_ =	shalt  }
0x83: {  	_ =	shalt  }
0x84: {  	_ =	shalt  }
0x85: {  	_ =	shalt  }
0x86: {  	_ =	shalt  }
0x87: {  	_ =	shalt  }
.Lfunc_end0:
.L_simem_size_0:
called_computation.1_lowered:
.L_overlay_start_0:
0x88: {  	s2 =	sld [smem:$0x3FD9]  }
0x89: {  	s3 =	sld [smem:$0x3FFE];
	_ =	sdelay $0x1  }
0x8a: {  	s1 =	srdreg.scid  }
0x8b: {  	s0 =	sand.u32 $0x1, s1  }
0x8c: {  	s17 =	sshll.u32 s0, $0xA;
	s2 =	sadd.s32 s3, s2  }
0x8d: {  	s2 =	sadd.s32 s2, s17  }
0x8e: {  	[smem:$0x3FC0] =	sst s2  }
0x8f: {  	_ = 	snop  }
0x90: {  	s2 =	sld [smem:$0x3FD0];
	(tm) =	ssettm $0x1  }
0x91: {  	s18 =	sld [smem:$0x3FFB];
	_ =	sdelay $0x3  }
0x92: {  	_ =	strace s18  }
0x93: {  	s3 =	sld [smem:$0x3FFC];
	_ =	sdelay $0x3  }
0x94: {  	_ =	strace s3  }
0x95: {  	s3 =	sld [smem:$0x3FFD];
	_ =	sdelay $0x3  }
0x96: {  	_ =	strace s3  }
0x97: {  	_ =	strace $0x8FFFFFFF  }
0x98: {  	s19 =	sld [smem:$0x3FDB];
	_ =	sdelay $0x1  }
0x99: {  	s4 =	simm.s32 $_scs_section_size  }
0x9a: {  	s5 =	simm.s32 $_size__tile_overlayer_lowered;
	s6 =	simm.s32 $_tile_overlayer_lowered  }
0x9b: {  	s22 =	simm.s32 $0x1BFF;
	s21 =	sshll.u32 s6, $0x1;
	s3 =	sadd.s32 s4, s19  }
0x9c: {  	s7 =	simm.s32 $0x0;
	s20 =	sshll.u32 s5, $0x1;
	s5 =	sadd.s32 s21, s3  }
0x9d: {  	[timem:s7], [sflag:s22] =	dma.local [hbm:s5], s20  }
0x9e: {  	_ =	swait.ge [sflag:s22], s20  }
0x9f: {  	s4 =	ssub.s32 $0x0, s20;
	[sflag:s22] =	ssyncset.done $0x0  }
0xa0: {  	[sflag:s22] =	ssyncadd.s32 s4;
	_ =	sdelay $0x1  }
0xa1: {  	s23 =	simm.s32 $0x1B8B  }
0xa2: {  	_ =	swait.ge [sflag:s23], $0x1  }
0xa3: {  	[sflag:s23] =	ssyncset.done $0x0  }
0xa4: {  	s25 =	simm.s32 $0x1B8E;
	s24 =	sld [smem:$0x3FFE];
	[sflag:s23] =	ssyncadd.s32 $0xFFFFFFFF  }
0xa5: {  	s26 =	simm.s32 $execute0_lowered;
	[smem:$0x3FD2] =	sst s25  }
0xa6: {  	s5 =	sshll.u32 s26, $0x1;
	_ =	strace $0x80000049;
	[dreg:$0x1] =	wrdreg $0xFFFFFFFF  }
0xa7: {  	s28 =	simm.s32 $_size_execute0_lowered;
	s3 =	sadd.s32 s3, s5;
	[dreg:$0x0] =	wrdreg $0x0  }
0xa8: {  	s5 =	sshll.u32 s28, $0x1;
	[dreg:$0x2] =	wrdreg s3  }
0xa9: {  	[dreg:$0x3] =	wrdreg s5  }
0xaa: {  	[dreg:$0x4] =	wrdreg $0xC0  }
0xab: {  	_ =	task [dreg:s7], $0x5FFFF  }
0xac: {  	[dreg:$0x1] =	wrdreg $0xFFFFFFFF  }
0xad: {  	[dreg:$0x0] =	wrdreg $0x60  }
0xae: {  	[dreg:$0x2] =	wrdreg s2  }
0xaf: {  	[dreg:$0x3] =	wrdreg s24  }
0xb0: {  	[dreg:$0x4] =	wrdreg $0x41000  }
0xb1: {  	[dreg:$0x5] =	wrdreg $0x9  }
0xb2: {  	_ =	task.clear_ibuf [dreg:s7], $0x6FFFF;
	_ =	strace $0x90000049  }
0xb3: {  	s29 =	simm.s32 $0x9;
	_ =	strace $0x8000004B  }
0xb4: {  	_ =	swait.ge [sflag:s29], $0x1  }
0xb5: {  	[sflag:s29] =	ssyncadd.s32 $0xFFFFFFFF  }
0xb6: {  	_ =	strace $0x9000004B  }
0xb7: {  	_ =	sfence  }
0xb8: {  	s30 =	sld [smem:$0x0];
	_ =	sdelay $0x2  }
0xb9: {  	s31 =	sshll.u32 s1, $0xD;
	s1 =	sshrl.u32 s1, $0x2  }
0xba: {  	s3 =	sand.u32 $0x4000, s31;
	s1 =	sadd.s32 s1, s30  }
0xbb: {  	s0 =	sor.u32 s3, s0;
	s1 =	sshll.u32 s1, $0x11  }
0xbc: {  	s0 =	sor.u32 s1, s0  }
0xbd: {  	s0 =	sadd.s32 $0x8F2B, s0  }
0xbe: {  	[sflag:s0] =	ssyncadd.remote.s32 $0x1  }
0xbf: {  	_ =	sfence.sel $0xFFFF  }
0xc0: {  	[dreg:$0x0] =	wrdreg $0xFFFFFFFF;
	(pc) =	sbr.abs _section_cstart, $3  }
0xc1: {  	[dreg:$0x1] =	wrdreg $0xFFFFFFFF  }
0xc2: {  	_ =	task.clear_ibuf [dreg:s7], $0x2FFFF;
	_ =	strace $0x9FFFFFFF  }
0xc3: {  	(tm) =	ssettm $0x7FFFFFFF  }
tec
execute0_lowered:
.L_overlay_start_1:
0x0: {  	(tag) =	ssettag $0x1  }
0x1: {  	s0 =	rddreg [dreg:$0x0]  }
0x2: {  	s5 =	rddreg [dreg:$0x1]  }
0x3: {  	s1 =	srdreg.scid;
	s3 =	rddreg [dreg:$0x2]  }
0x4: {  	s2 =	rddreg [dreg:$0x3];
	s6 =	sand.u32 $0x1, s1  }
0x5: {  	s4 =	simm.s32 $0x0;
	s1 =	stileid.u32;
	s7 =	smul.u32 $0x9E00, s6  }
0x6: {  	s13 =	simm.s32 $0x100;
	s14 =	simm.s32 $0x1;
	s8 =	smul.u32 $0x14000, s1  }
0x7: {  	s15 =	simm.s32 $0x0;
	[smem:$0x7FF] =	sst s4;
	s9 =	smul.u32 $0x140000, s6  }
0x8: {  	_ =	strace $0x8000004A;
	s10 =	smul.u32 $0x50000, s1;
	s30 =	ssub.s32 $0x2, s6  }
0x9: {  	s11 =	smul.u32 $0x9E0, s1;
	s31 =	sshll.u32 s1, $0x6;
	s6 =	sshrl.u32 s30, $0x1  }
0xa: {  	s7 =	sadd.s32 s7, s5;
	s9 =	sadd.s32 s8, s9;
	s8 =	sshrl.u32 s8, $0x3  }
0xb: {  	s10 =	sshrl.u32 s10, $0x2;
	s12 =	ssub.s32 s30, s6;
	s6 =	sor.u32 $0x1C02, s31  }
0xc: {  	s9 =	sshrl.u32 s9, $0x3;
	s8 =	sadd.s32 s8, s5;
	s10 =	sadd.s32 s10, s3  }
0xd: {  	s11 =	sadd.s32 s11, s7;
	s9 =	sadd.s32 s9, s5;
	s5 =	sadd.s32 $0x18E00, s8  }
0xe: {  	s8 =	smax.u32 s12, $0x1;
	s10 =	sshrl.u32 s10, $0x3;
	s12 =	simm.s32 $0x80  }
0xf: {  	s7 =	sadd.s32 $0x40E00, s9;
	s9 =	sadd.s32 $0x5200, s11;
	s11 =	simm.s32 $0x2  }
.LBB2_1:
0x10: {  	[spmem:s10], [sflag:s6] =	dma.local [hbm:s5], $0x2800  }
0x11: {  	_ =	swait.ge [sflag:s11], $0x2800  }
0x12: {  	[sflag:s11] =	ssyncset.done $0x0  }
0x13: {  	[sflag:s11] =	ssyncadd.s32 $0xFFFFD800  }
0x14: {  	s16 =	sadd.s32 $0x0, s9;
	[bflag:$0x0] =	sbarrier.arrive $0xFFFF  }
0x15: {  	[tilespmem:s4], [sflag:$0x2] =	stream.linear.gather [hbm4b:s16+s4], $0x100, $0x38;
	[tilespmem:$0x18100] =	vst v63  }
0x16: {  	_ =	swait.ge [sflag:s11], $0x100  }
0x17: {  	[sflag:s11] =	ssyncset.done $0x0  }
0x18: {  	[sflag:s11] =	ssyncadd.s32 $0xFFFFFF00  }
0x19: {  	[tilespmem:s13], [sflag:$0x1] =	stream.indirect.gather [hbm4b:s0+s12], $0x80, s4, s12, $0xb8;
	[tilespmem:$0x18100] =	vst v63  }
0x1a: {  	_ =	swait.ge [sflag:s14], $0x4000  }
0x1b: {  	[sflag:s14] =	ssyncset.done $0x0  }
0x1c: {  	[sflag:s14] =	ssyncadd.s32 $0xFFFFC000  }
0x1d: {  	[spmem:s3] =	stream.indirect.scatter.add.f32 [tilespmem:s13], [sflag:$0x2], $0x80, s12, s12, $0xb8;
	[tilespmem:$0x18100] =	vst v63  }
0x1e: {  	_ =	swait.ge [sflag:s11], $0x4000  }
0x1f: {  	s17 =	simm.s32 $0x40;
	s16 =	simm.s32 $0x20;
	[sflag:s11] =	ssyncset.done $0x0  }
.LBB2_2:
0x20: {  	s18 =	sadd.s32 s16, s9  }
0x21: {  	[sflag:s11] =	ssyncadd.s32 $0xFFFFC000;
	s16 =	smov.u32 s17;
	s19 =	sadd.s32 $0x20, s17  }
0x22: {  	[tilespmem:s4], [sflag:$0x2] =	stream.linear.gather [hbm4b:s18+s4], $0x100, $0x38;
	[tilespmem:$0x18100] =	vst v63  }
0x23: {  	p0 =	sne.s32 s17, $0x9C0;
	_ =	swait.ge [sflag:s11], $0x100  }
0x24: {  	[sflag:s11] =	ssyncset.done $0x0  }
0x25: {  	[sflag:s11] =	ssyncadd.s32 $0xFFFFFF00  }
0x26: {  	[tilespmem:s13], [sflag:$0x1] =	stream.indirect.gather [hbm4b:s0+s12], $0x80, s4, s12, $0xb8;
	[tilespmem:$0x18100] =	vst v63  }
0x27: {  	_ =	swait.ge [sflag:s14], $0x4000  }
.Ltmp0:
0x28: {  	[sflag:s14] =	ssyncset.done $0x0;
	(pc) =	sbr.rel @p0 .LBB2_2-.Ltmp0, $4  }
0x29: {  	[sflag:s14] =	ssyncadd.s32 $0xFFFFC000  }
0x2a: {  	[spmem:s3] =	stream.indirect.scatter.add.f32 [tilespmem:s13], [sflag:$0x2], $0x80, s12, s12, $0xb8;
	[tilespmem:$0x18100] =	vst v63  }
0x2b: {  	_ =	swait.ge [sflag:s11], $0x4000  }
0x2c: {  	s17 =	smov.u32 s19;
	[sflag:s11] =	ssyncset.done $0x0  }
0x2d: {  	s16 =	sadd.s32 s16, s9;
	[sflag:s11] =	ssyncadd.s32 $0xFFFFC000  }
0x2e: {  	[tilespmem:s4], [sflag:$0x2] =	stream.linear.gather [hbm4b:s16+s4], $0x100, $0x38;
	[tilespmem:$0x18100] =	vst v63  }
0x2f: {  	_ =	swait.ge [sflag:s11], $0x100  }
0x30: {  	[sflag:s11] =	ssyncset.done $0x0  }
0x31: {  	[sflag:s11] =	ssyncadd.s32 $0xFFFFFF00  }
0x32: {  	[tilespmem:s13], [sflag:$0x1] =	stream.indirect.gather [hbm4b:s0+s12], $0x80, s4, s12, $0xb8;
	[tilespmem:$0x18100] =	vst v63  }
0x33: {  	_ =	swait.ge [sflag:s14], $0x4000  }
0x34: {  	[sflag:s14] =	ssyncset.done $0x0  }
0x35: {  	[sflag:s14] =	ssyncadd.s32 $0xFFFFC000  }
0x36: {  	[spmem:s3] =	stream.indirect.scatter.add.f32 [tilespmem:s13], [sflag:$0x2], $0x80, s12, s12, $0xb8;
	[tilespmem:$0x18100] =	vst v63  }
0x37: {  	_ =	swait.ge [sflag:s11], $0x4000  }
0x38: {  	s15 =	sadd.s32 $0x1, s15;
	[sflag:s11] =	ssyncset.done $0x0  }
0x39: {  	p0 =	sne.s32 s15, s8;
	[sflag:s11] =	ssyncadd.s32 $0xFFFFC000  }
.Ltmp1:
0x3a: {  	[bflag:$0x0] =	sbarrier.arrive $0xFFFF;
	(pc) =	sbr.rel @p0 .LBB2_1-.Ltmp1, $4  }
0x3b: {  	[hbm:s7], [sflag:s6] =	dma.local [spmem:s10], $0x2800  }
0x3c: {  	_ =	swait.ge [sflag:s11], $0x2800  }
0x3d: {  	[sflag:s11] =	ssyncset.done $0x0  }
0x3e: {  	[sflag:s11] =	ssyncadd.s32 $0xFFFFD800  }
0x3f: {  	_ =	sfence.sel $0x180000  }
0x40: {  	[bflag:$0x0] =	sbarrier.arrive $0xFFFF  }
0x41: {  	p0 =	sne.s32 s1, $0x0;
	_ =	strace $0x9000004A  }
0x42: {  	s0 =	sadd.s32 @!p0 $0x100000, s2;
	[bflag:$0x2] =	sbarrier.arrive $0xFFFF  }
0x43: {  	[sflag:s0] =	ssyncadd.tile.s32 @!p0 $0x1;
	_ =	shalt  }
.Lfunc_end2:
_tile_overlayer_lowered:
.L_overlay_start_2:
0x44: {  	(tag) =	ssettag $0x2  }
0x45: {  	s0 =	rddreg [dreg:$0x0];
	s2 =	stileid.u32  }
0x46: {  	s1 =	rddreg [dreg:$0x1];
	p0 =	sne.s32 s2, $0x0  }
0x47: {  	s3 =	rddreg [dreg:$0x2];
	[bflag:$0x3] =	sbarrier.arrive $0xFFFF;
	s2 =	simm.s32 @!p0 $0x1C02  }
0x48: {  	[timem:s3], [sflag:s2] =	dma.local @!p0 [hbm:s0], s1  }
0x49: {  	s0 =	simm.s32 @!p0 $0x2  }
0x4a: {  	_ =	swait.ge @!p0 [sflag:s0], s1  }
0x4b: {  	s1 =	ssub.s32 @!p0 $0x0, s1;
	[sflag:s0] =	ssyncset.done @!p0 $0x0  }
0x4c: {  	[sflag:s0] =	ssyncadd.s32 @!p0 s1  }
0x4d: {  	[bflag:$0x3] =	sbarrier.arrive $0xFFFF  }
0x4e: {  	_ =	shalt  }

// kernel: kernel.17.cloned.1.call-start
scs
__scs_entry_jumppad:
0x0: {  	(pc) =	sbr.rel $0x88, $3  }
0x1: {  	(tag) =	ssettag $0x0;
	lr =	simm.s32 $0x1  }
0x2: {  	[smem:$0x3F99] =	sst lr;
	_ =	strace $0xD0000000  }
0x3: {  	_ = 	snop  }
0x4: {  	_ = 	snop  }
0x5: {  	_ = 	snop  }
0x6: {  	_ = 	snop  }
0x7: {  	_ = 	snop  }
__scs_overlays_trampoline_lowered:
0x8: {  	[smem:$0x3FA8] =	sst s0  }
0x9: {  	[smem:$0x3FA9] =	sst s1  }
0xa: {  	[smem:$0x3FAA] =	sst s2  }
0xb: {  	[smem:$0x3FAB] =	sst s3  }
0xc: {  	[smem:$0x3FAC] =	sst s4  }
0xd: {  	[smem:$0x3FAD] =	sst s5  }
0xe: {  	[smem:$0x3FAE] =	sst s6  }
0xf: {  	[smem:$0x3FAF] =	sst s7  }
0x10: {  	[smem:$0x3FB0] =	sst s8  }
0x11: {  	[smem:$0x3FB1] =	sst s9;
	s0 =	simm.s32 @!p0 $0x0  }
0x12: {  	s1 =	sld [smem:$0x3F97];
	s0 =	simm.s32 @p0 $0x1  }
0x13: {  	[smem:$0x3FB2] =	sst s0;
	s0 =	simm.s32 @!p1 $0x0  }
0x14: {  	s2 =	sld [smem:$0x3F96];
	s0 =	simm.s32 @p1 $0x1  }
0x15: {  	[smem:$0x3FB3] =	sst s0;
	s0 =	simm.s32 @!p2 $0x0  }
0x16: {  	s3 =	sld [smem:$0x3FDB];
	s0 =	simm.s32 @p2 $0x1  }
0x17: {  	s4 =	simm.s32 $0x1BF5;
	[smem:$0x3FB5] =	sst s0  }
0x18: {  	s0 =	sld [smem:$0x3F98];
	_ =	swait.ge [sflag:s4], $0x0  }
0x19: {  	s7 =	sld [smem:$0x3F99]  }
0x1a: {  	s8 =	sadd.s32 $0xFFFFE003, lr  }
0x1b: {  	s9 =	sadd.s32 $0xFFFFFEF7, lr;
	s5 =	simm.s32 $0xFFFFFFFF;
	p2 =	slt.u32 s8, $0xFFFFF086  }
0x1c: {  	p1 =	slt.u32 s9, $0xF7A;
	s5 =	simm.s32 @!p2 $0x0  }
0x1d: {  	s5 =	simm.s32 @p1 $0x1;
	p0 =	seq.s32 s7, s2  }
0x1e: {  	s7 =	smul.u32 @!p0 $0xF7A, s2;
	p2 =	seq.s32 @!p0 s5, $0x0  }
0x1f: {  	s9 =	smul.u32 $0xF7A, s1;
	s8 =	simm.s32 @!p0 $0x1BF5;
	p2 =	por !p2, p0  }
0x20: {  	[sflag:s8] =	ssyncset.s32 @!p0 $0xFFFFF086;
	s6 =	sadd.s32 @!p0 s3, s7;
	s7 =	simm.s32 @!p0 $0x108  }
0x21: {  	s3 =	sadd.s32 s3, s9;
	s6 =	sadd.s32 @!p0 $0x88, s6;
	s7 =	simm.s32 @p2 $0x1082  }
0x22: {  	[simem:s7], [sflag:s8] =	dma.local @!p0 [hbm:s6], $0xF7A  }
0x23: {  	s9 =	sor.u32 $0xD0000000, s2;
	s6 =	simm.s32 $0x108;
	_ =	swait.ge @!p0 [sflag:s8], $0x0  }
0x24: {  	s3 =	sadd.s32 $0x88, s3;
	s6 =	simm.s32 @!p1 $0x1082;
	[sflag:s4] =	ssyncset.s32 $0xFFFFF086  }
0x25: {  	[simem:s6], [sflag:s4] =	dma.local [hbm:s3], $0xF7A  }
0x26: {  	[smem:$0x3F99] =	sst s1;
	(tag) =	ssettag s2;
	_ =	strace s9  }
0x27: {  	s1 =	sld [smem:$0x3FA9]  }
0x28: {  	s2 =	sld [smem:$0x3FAA]  }
0x29: {  	s4 =	sld [smem:$0x3FAC]  }
0x2a: {  	p0 =	seq.s32 s5, $0x0;
	s5 =	sld [smem:$0x3FAD]  }
0x2b: {  	s6 =	sld [smem:$0x3FAE]  }
0x2c: {  	s7 =	sld [smem:$0x3FAF]  }
0x2d: {  	s3 =	simm.s32 $0x108;
	s8 =	sld [smem:$0x3FB0]  }
0x2e: {  	s3 =	simm.s32 @!p0 $0x1082;
	s9 =	sld [smem:$0x3FB1]  }
0x2f: {  	lr =	sadd.s32 s0, s3;
	s0 =	sld [smem:$0x3FA8]  }
0x30: {  	s3 =	sld [smem:$0x3FAB]  }
0x31: {  	[smem:$0x3FB4] =	sst s10  }
0x32: {  	s10 =	sld [smem:$0x3FB2];
	_ =	sdelay $0x3  }
0x33: {  	p0 =	seq.s32 s10, $0x1;
	s10 =	sld [smem:$0x3FB4];
	_ =	sdelay $0x3  }
0x34: {  	[smem:$0x3FB4] =	sst s10  }
0x35: {  	s10 =	sld [smem:$0x3FB3];
	_ =	sdelay $0x3  }
0x36: {  	p1 =	seq.s32 s10, $0x1;
	s10 =	sld [smem:$0x3FB4];
	_ =	sdelay $0x3  }
0x37: {  	[smem:$0x3FB4] =	sst s10  }
0x38: {  	s10 =	sld [smem:$0x3FB5]  }
0x39: {  	_ = 	snop;
	(pc) =	sbr.ind lr, $3  }
0x3a: {  	_ = 	snop  }
0x3b: {  	_ = 	snop  }
0x3c: {  	p2 =	seq.s32 s10, $0x1;
	s10 =	sld [smem:$0x3FB4]  }
0x3d: {  	_ =	shalt  }
0x3e: {  	_ =	shalt  }
0x3f: {  	_ =	shalt  }
0x40: {  	_ =	shalt  }
0x41: {  	_ =	shalt  }
0x42: {  	_ =	shalt  }
0x43: {  	_ =	shalt  }
0x44: {  	_ =	shalt  }
0x45: {  	_ =	shalt  }
0x46: {  	_ =	shalt  }
0x47: {  	_ =	shalt  }
0x48: {  	_ =	shalt  }
0x49: {  	_ =	shalt  }
0x4a: {  	_ =	shalt  }
0x4b: {  	_ =	shalt  }
0x4c: {  	_ =	shalt  }
0x4d: {  	_ =	shalt  }
0x4e: {  	_ =	shalt  }
0x4f: {  	_ =	shalt  }
0x50: {  	_ =	shalt  }
0x51: {  	_ =	shalt  }
0x52: {  	_ =	shalt  }
0x53: {  	_ =	shalt  }
0x54: {  	_ =	shalt  }
0x55: {  	_ =	shalt  }
0x56: {  	_ =	shalt  }
0x57: {  	_ =	shalt  }
0x58: {  	_ =	shalt  }
0x59: {  	_ =	shalt  }
0x5a: {  	_ =	shalt  }
0x5b: {  	_ =	shalt  }
0x5c: {  	_ =	shalt  }
0x5d: {  	_ =	shalt  }
0x5e: {  	_ =	shalt  }
0x5f: {  	_ =	shalt  }
0x60: {  	_ =	shalt  }
0x61: {  	_ =	shalt  }
0x62: {  	_ =	shalt  }
0x63: {  	_ =	shalt  }
0x64: {  	_ =	shalt  }
0x65: {  	_ =	shalt  }
0x66: {  	_ =	shalt  }
0x67: {  	_ =	shalt  }
0x68: {  	_ =	shalt  }
0x69: {  	_ =	shalt  }
0x6a: {  	_ =	shalt  }
0x6b: {  	_ =	shalt  }
0x6c: {  	_ =	shalt  }
0x6d: {  	_ =	shalt  }
0x6e: {  	_ =	shalt  }
0x6f: {  	_ =	shalt  }
0x70: {  	_ =	shalt  }
0x71: {  	_ =	shalt  }
0x72: {  	_ =	shalt  }
0x73: {  	_ =	shalt  }
0x74: {  	_ =	shalt  }
0x75: {  	_ =	shalt  }
0x76: {  	_ =	shalt  }
0x77: {  	_ =	shalt  }
0x78: {  	_ =	shalt  }
0x79: {  	_ =	shalt  }
0x7a: {  	_ =	shalt  }
0x7b: {  	_ =	shalt  }
0x7c: {  	_ =	shalt  }
0x7d: {  	_ =	shalt  }
0x7e: {  	_ =	shalt  }
0x7f: {  	_ =	shalt  }
0x80: {  	_ =	shalt  }
0x81: {  	_ =	shalt  }
0x82: {  	_ =	shalt  }
0x83: {  	_ =	shalt  }
0x84: {  	_ =	shalt  }
0x85: {  	_ =	shalt  }
0x86: {  	_ =	shalt  }
0x87: {  	_ =	shalt  }
.Lfunc_end0:
.L_simem_size_0:
called_computation.2_lowered:
.L_overlay_start_0:
0x88: {  	s2 =	sld [smem:$0x3FD9]  }
0x89: {  	s3 =	sld [smem:$0x3FFE];
	_ =	sdelay $0x1  }
0x8a: {  	s1 =	srdreg.scid  }
0x8b: {  	s0 =	sand.u32 $0x1, s1  }
0x8c: {  	s17 =	sshll.u32 s0, $0xA;
	s2 =	sadd.s32 s3, s2  }
0x8d: {  	s2 =	sadd.s32 s2, s17  }
0x8e: {  	[smem:$0x3FC0] =	sst s2  }
0x8f: {  	_ = 	snop  }
0x90: {  	s2 =	sld [smem:$0x3FD0];
	(tm) =	ssettm $0x1  }
0x91: {  	s18 =	sld [smem:$0x3FFB];
	_ =	sdelay $0x3  }
0x92: {  	_ =	strace s18  }
0x93: {  	s3 =	sld [smem:$0x3FFC];
	_ =	sdelay $0x3  }
0x94: {  	_ =	strace s3  }
0x95: {  	s3 =	sld [smem:$0x3FFD];
	_ =	sdelay $0x3  }
0x96: {  	_ =	strace s3  }
0x97: {  	_ =	strace $0x8FFFFFFF  }
0x98: {  	s19 =	sld [smem:$0x3FDB];
	_ =	sdelay $0x1  }
0x99: {  	s4 =	simm.s32 $_scs_section_size  }
0x9a: {  	s5 =	simm.s32 $_size__tile_overlayer_lowered;
	s6 =	simm.s32 $_tile_overlayer_lowered  }
0x9b: {  	s22 =	simm.s32 $0x1BFF;
	s21 =	sshll.u32 s6, $0x1;
	s3 =	sadd.s32 s4, s19  }
0x9c: {  	s7 =	simm.s32 $0x0;
	s20 =	sshll.u32 s5, $0x1;
	s5 =	sadd.s32 s21, s3  }
0x9d: {  	[timem:s7], [sflag:s22] =	dma.local [hbm:s5], s20  }
0x9e: {  	_ =	swait.ge [sflag:s22], s20  }
0x9f: {  	s4 =	ssub.s32 $0x0, s20;
	[sflag:s22] =	ssyncset.done $0x0  }
0xa0: {  	[sflag:s22] =	ssyncadd.s32 s4;
	_ =	sdelay $0x1  }
0xa1: {  	s23 =	simm.s32 $0x1B8B  }
0xa2: {  	_ =	swait.ge [sflag:s23], $0x1  }
0xa3: {  	[sflag:s23] =	ssyncset.done $0x0  }
0xa4: {  	s25 =	simm.s32 $0x1B8E;
	s24 =	sld [smem:$0x3FFE];
	[sflag:s23] =	ssyncadd.s32 $0xFFFFFFFF  }
0xa5: {  	s26 =	simm.s32 $execute0_lowered;
	[smem:$0x3FD2] =	sst s25  }
0xa6: {  	s5 =	sshll.u32 s26, $0x1;
	_ =	strace $0x8000004C;
	[dreg:$0x1] =	wrdreg $0xFFFFFFFF  }
0xa7: {  	s28 =	simm.s32 $_size_execute0_lowered;
	s3 =	sadd.s32 s3, s5;
	[dreg:$0x0] =	wrdreg $0x0  }
0xa8: {  	s5 =	sshll.u32 s28, $0x1;
	[dreg:$0x2] =	wrdreg s3  }
0xa9: {  	[dreg:$0x3] =	wrdreg s5  }
0xaa: {  	[dreg:$0x4] =	wrdreg $0xC0  }
0xab: {  	_ =	task [dreg:s7], $0x5FFFF  }
0xac: {  	[dreg:$0x1] =	wrdreg $0xFFFFFFFF  }
0xad: {  	[dreg:$0x0] =	wrdreg $0x60  }
0xae: {  	[dreg:$0x2] =	wrdreg s2  }
0xaf: {  	[dreg:$0x3] =	wrdreg s24  }
0xb0: {  	[dreg:$0x4] =	wrdreg $0x41000  }
0xb1: {  	[dreg:$0x5] =	wrdreg $0x9  }
0xb2: {  	_ =	task.clear_ibuf [dreg:s7], $0x6FFFF;
	_ =	strace $0x9000004C  }
0xb3: {  	s29 =	simm.s32 $0x9;
	_ =	strace $0x8000004E  }
0xb4: {  	_ =	swait.ge [sflag:s29], $0x1  }
0xb5: {  	[sflag:s29] =	ssyncadd.s32 $0xFFFFFFFF  }
0xb6: {  	_ =	strace $0x9000004E  }
0xb7: {  	_ =	sfence  }
0xb8: {  	s30 =	sld [smem:$0x0];
	_ =	sdelay $0x2  }
0xb9: {  	s31 =	sshll.u32 s1, $0xD;
	s1 =	sshrl.u32 s1, $0x2  }
0xba: {  	s3 =	sand.u32 $0x4000, s31;
	s1 =	sadd.s32 s1, s30  }
0xbb: {  	s0 =	sor.u32 s3, s0;
	s1 =	sshll.u32 s1, $0x11  }
0xbc: {  	s0 =	sor.u32 s1, s0  }
0xbd: {  	s0 =	sadd.s32 $0x8F2B, s0  }
0xbe: {  	[sflag:s0] =	ssyncadd.remote.s32 $0x1  }
0xbf: {  	_ =	sfence.sel $0xFFFF  }
0xc0: {  	[dreg:$0x0] =	wrdreg $0xFFFFFFFF;
	(pc) =	sbr.abs _section_cstart, $3  }
0xc1: {  	[dreg:$0x1] =	wrdreg $0xFFFFFFFF  }
0xc2: {  	_ =	task.clear_ibuf [dreg:s7], $0x2FFFF;
	_ =	strace $0x9FFFFFFF  }
0xc3: {  	(tm) =	ssettm $0x7FFFFFFF  }
tec
execute0_lowered:
.L_overlay_start_1:
0x0: {  	(tag) =	ssettag $0x1  }
0x1: {  	s0 =	rddreg [dreg:$0x0]  }
0x2: {  	s5 =	rddreg [dreg:$0x1]  }
0x3: {  	s1 =	srdreg.scid;
	s3 =	rddreg [dreg:$0x2]  }
0x4: {  	s2 =	rddreg [dreg:$0x3];
	s6 =	sand.u32 $0x1, s1  }
0x5: {  	s4 =	simm.s32 $0x0;
	s1 =	stileid.u32;
	s7 =	smul.u32 $0x9E00, s6  }
0x6: {  	s13 =	simm.s32 $0x100;
	s14 =	simm.s32 $0x1;
	s8 =	smul.u32 $0x14000, s1  }
0x7: {  	s15 =	simm.s32 $0x0;
	[smem:$0x7FF] =	sst s4;
	s9 =	smul.u32 $0x140000, s6  }
0x8: {  	_ =	strace $0x8000004D;
	s10 =	smul.u32 $0x50000, s1;
	s30 =	ssub.s32 $0x2, s6  }
0x9: {  	s11 =	smul.u32 $0x9E0, s1;
	s31 =	sshll.u32 s1, $0x6;
	s6 =	sshrl.u32 s30, $0x1  }
0xa: {  	s7 =	sadd.s32 s7, s5;
	s9 =	sadd.s32 s8, s9;
	s8 =	sshrl.u32 s8, $0x3  }
0xb: {  	s10 =	sshrl.u32 s10, $0x2;
	s12 =	ssub.s32 s30, s6;
	s6 =	sor.u32 $0x1C02, s31  }
0xc: {  	s9 =	sshrl.u32 s9, $0x3;
	s8 =	sadd.s32 s8, s5;
	s10 =	sadd.s32 s10, s3  }
0xd: {  	s11 =	sadd.s32 s11, s7;
	s9 =	sadd.s32 s9, s5;
	s5 =	sadd.s32 $0x18E00, s8  }
0xe: {  	s8 =	smax.u32 s12, $0x1;
	s10 =	sshrl.u32 s10, $0x3;
	s12 =	simm.s32 $0x80  }
0xf: {  	s7 =	sadd.s32 $0x68000, s9;
	s9 =	sadd.s32 $0x5200, s11;
	s11 =	simm.s32 $0x2  }
.LBB2_1:
0x10: {  	[spmem:s10], [sflag:s6] =	dma.local [hbm:s5], $0x2800  }
0x11: {  	_ =	swait.ge [sflag:s11], $0x2800  }
0x12: {  	[sflag:s11] =	ssyncset.done $0x0  }
0x13: {  	[sflag:s11] =	ssyncadd.s32 $0xFFFFD800  }
0x14: {  	s16 =	sadd.s32 $0x0, s9;
	[bflag:$0x0] =	sbarrier.arrive $0xFFFF  }
0x15: {  	[tilespmem:s4], [sflag:$0x2] =	stream.linear.gather [hbm4b:s16+s4], $0x100, $0x38;
	[tilespmem:$0x18100] =	vst v63  }
0x16: {  	_ =	swait.ge [sflag:s11], $0x100  }
0x17: {  	[sflag:s11] =	ssyncset.done $0x0  }
0x18: {  	[sflag:s11] =	ssyncadd.s32 $0xFFFFFF00  }
0x19: {  	[tilespmem:s13], [sflag:$0x1] =	stream.indirect.gather [hbm4b:s0+s12], $0x80, s4, s12, $0xb8;
	[tilespmem:$0x18100] =	vst v63  }
0x1a: {  	_ =	swait.ge [sflag:s14], $0x4000  }
0x1b: {  	[sflag:s14] =	ssyncset.done $0x0  }
0x1c: {  	[sflag:s14] =	ssyncadd.s32 $0xFFFFC000  }
0x1d: {  	[spmem:s3] =	stream.indirect.scatter.add.f32 [tilespmem:s13], [sflag:$0x2], $0x80, s12, s12, $0xb8;
	[tilespmem:$0x18100] =	vst v63  }
0x1e: {  	_ =	swait.ge [sflag:s11], $0x4000  }
0x1f: {  	s17 =	simm.s32 $0x40;
	s16 =	simm.s32 $0x20;
	[sflag:s11] =	ssyncset.done $0x0  }
.LBB2_2:
0x20: {  	s18 =	sadd.s32 s16, s9  }
0x21: {  	[sflag:s11] =	ssyncadd.s32 $0xFFFFC000;
	s16 =	smov.u32 s17;
	s19 =	sadd.s32 $0x20, s17  }
0x22: {  	[tilespmem:s4], [sflag:$0x2] =	stream.linear.gather [hbm4b:s18+s4], $0x100, $0x38;
	[tilespmem:$0x18100] =	vst v63  }
0x23: {  	p0 =	sne.s32 s17, $0x9C0;
	_ =	swait.ge [sflag:s11], $0x100  }
0x24: {  	[sflag:s11] =	ssyncset.done $0x0  }
0x25: {  	[sflag:s11] =	ssyncadd.s32 $0xFFFFFF00  }
0x26: {  	[tilespmem:s13], [sflag:$0x1] =	stream.indirect.gather [hbm4b:s0+s12], $0x80, s4, s12, $0xb8;
	[tilespmem:$0x18100] =	vst v63  }
0x27: {  	_ =	swait.ge [sflag:s14], $0x4000  }
.Ltmp0:
0x28: {  	[sflag:s14] =	ssyncset.done $0x0;
	(pc) =	sbr.rel @p0 .LBB2_2-.Ltmp0, $4  }
0x29: {  	[sflag:s14] =	ssyncadd.s32 $0xFFFFC000  }
0x2a: {  	[spmem:s3] =	stream.indirect.scatter.add.f32 [tilespmem:s13], [sflag:$0x2], $0x80, s12, s12, $0xb8;
	[tilespmem:$0x18100] =	vst v63  }
0x2b: {  	_ =	swait.ge [sflag:s11], $0x4000  }
0x2c: {  	s17 =	smov.u32 s19;
	[sflag:s11] =	ssyncset.done $0x0  }
0x2d: {  	s16 =	sadd.s32 s16, s9;
	[sflag:s11] =	ssyncadd.s32 $0xFFFFC000  }
0x2e: {  	[tilespmem:s4], [sflag:$0x2] =	stream.linear.gather [hbm4b:s16+s4], $0x100, $0x38;
	[tilespmem:$0x18100] =	vst v63  }
0x2f: {  	_ =	swait.ge [sflag:s11], $0x100  }
0x30: {  	[sflag:s11] =	ssyncset.done $0x0  }
0x31: {  	[sflag:s11] =	ssyncadd.s32 $0xFFFFFF00  }
0x32: {  	[tilespmem:s13], [sflag:$0x1] =	stream.indirect.gather [hbm4b:s0+s12], $0x80, s4, s12, $0xb8;
	[tilespmem:$0x18100] =	vst v63  }
0x33: {  	_ =	swait.ge [sflag:s14], $0x4000  }
0x34: {  	[sflag:s14] =	ssyncset.done $0x0  }
0x35: {  	[sflag:s14] =	ssyncadd.s32 $0xFFFFC000  }
0x36: {  	[spmem:s3] =	stream.indirect.scatter.add.f32 [tilespmem:s13], [sflag:$0x2], $0x80, s12, s12, $0xb8;
	[tilespmem:$0x18100] =	vst v63  }
0x37: {  	_ =	swait.ge [sflag:s11], $0x4000  }
0x38: {  	s15 =	sadd.s32 $0x1, s15;
	[sflag:s11] =	ssyncset.done $0x0  }
0x39: {  	p0 =	sne.s32 s15, s8;
	[sflag:s11] =	ssyncadd.s32 $0xFFFFC000  }
.Ltmp1:
0x3a: {  	[bflag:$0x0] =	sbarrier.arrive $0xFFFF;
	(pc) =	sbr.rel @p0 .LBB2_1-.Ltmp1, $4  }
0x3b: {  	[hbm:s7], [sflag:s6] =	dma.local [spmem:s10], $0x2800  }
0x3c: {  	_ =	swait.ge [sflag:s11], $0x2800  }
0x3d: {  	[sflag:s11] =	ssyncset.done $0x0  }
0x3e: {  	[sflag:s11] =	ssyncadd.s32 $0xFFFFD800  }
0x3f: {  	_ =	sfence.sel $0x180000  }
0x40: {  	[bflag:$0x0] =	sbarrier.arrive $0xFFFF  }
0x41: {  	p0 =	sne.s32 s1, $0x0;
	_ =	strace $0x9000004D  }
0x42: {  	s0 =	sadd.s32 @!p0 $0x100000, s2;
	[bflag:$0x2] =	sbarrier.arrive $0xFFFF  }
0x43: {  	[sflag:s0] =	ssyncadd.tile.s32 @!p0 $0x1;
	_ =	shalt  }
.Lfunc_end2:
_tile_overlayer_lowered:
.L_overlay_start_2:
0x44: {  	(tag) =	ssettag $0x2  }
0x45: {  	s0 =	rddreg [dreg:$0x0];
	s2 =	stileid.u32  }
0x46: {  	s1 =	rddreg [dreg:$0x1];
	p0 =	sne.s32 s2, $0x0  }
0x47: {  	s3 =	rddreg [dreg:$0x2];
	[bflag:$0x3] =	sbarrier.arrive $0xFFFF;
	s2 =	simm.s32 @!p0 $0x1C02  }
0x48: {  	[timem:s3], [sflag:s2] =	dma.local @!p0 [hbm:s0], s1  }
0x49: {  	s0 =	simm.s32 @!p0 $0x2  }
0x4a: {  	_ =	swait.ge @!p0 [sflag:s0], s1  }
0x4b: {  	s1 =	ssub.s32 @!p0 $0x0, s1;
	[sflag:s0] =	ssyncset.done @!p0 $0x0  }
0x4c: {  	[sflag:s0] =	ssyncadd.s32 @!p0 s1  }
0x4d: {  	[bflag:$0x3] =	sbarrier.arrive $0xFFFF  }
0x4e: {  	_ =	shalt  }

// kernel: kernel.20.cloned.1.call-start
scs
__scs_entry_jumppad:
0x0: {  	(pc) =	sbr.rel $0x88, $3  }
0x1: {  	(tag) =	ssettag $0x0;
	lr =	simm.s32 $0x1  }
0x2: {  	[smem:$0x3F99] =	sst lr;
	_ =	strace $0xD0000000  }
0x3: {  	_ = 	snop  }
0x4: {  	_ = 	snop  }
0x5: {  	_ = 	snop  }
0x6: {  	_ = 	snop  }
0x7: {  	_ = 	snop  }
__scs_overlays_trampoline_lowered:
0x8: {  	[smem:$0x3FA8] =	sst s0  }
0x9: {  	[smem:$0x3FA9] =	sst s1  }
0xa: {  	[smem:$0x3FAA] =	sst s2  }
0xb: {  	[smem:$0x3FAB] =	sst s3  }
0xc: {  	[smem:$0x3FAC] =	sst s4  }
0xd: {  	[smem:$0x3FAD] =	sst s5  }
0xe: {  	[smem:$0x3FAE] =	sst s6  }
0xf: {  	[smem:$0x3FAF] =	sst s7  }
0x10: {  	[smem:$0x3FB0] =	sst s8  }
0x11: {  	[smem:$0x3FB1] =	sst s9;
	s0 =	simm.s32 @!p0 $0x0  }
0x12: {  	s1 =	sld [smem:$0x3F97];
	s0 =	simm.s32 @p0 $0x1  }
0x13: {  	[smem:$0x3FB2] =	sst s0;
	s0 =	simm.s32 @!p1 $0x0  }
0x14: {  	s2 =	sld [smem:$0x3F96];
	s0 =	simm.s32 @p1 $0x1  }
0x15: {  	[smem:$0x3FB3] =	sst s0;
	s0 =	simm.s32 @!p2 $0x0  }
0x16: {  	s3 =	sld [smem:$0x3FDB];
	s0 =	simm.s32 @p2 $0x1  }
0x17: {  	s4 =	simm.s32 $0x1BF5;
	[smem:$0x3FB5] =	sst s0  }
0x18: {  	s0 =	sld [smem:$0x3F98];
	_ =	swait.ge [sflag:s4], $0x0  }
0x19: {  	s7 =	sld [smem:$0x3F99]  }
0x1a: {  	s8 =	sadd.s32 $0xFFFFE003, lr  }
0x1b: {  	s9 =	sadd.s32 $0xFFFFFEF7, lr;
	s5 =	simm.s32 $0xFFFFFFFF;
	p2 =	slt.u32 s8, $0xFFFFF086  }
0x1c: {  	p1 =	slt.u32 s9, $0xF7A;
	s5 =	simm.s32 @!p2 $0x0  }
0x1d: {  	s5 =	simm.s32 @p1 $0x1;
	p0 =	seq.s32 s7, s2  }
0x1e: {  	s7 =	smul.u32 @!p0 $0xF7A, s2;
	p2 =	seq.s32 @!p0 s5, $0x0  }
0x1f: {  	s9 =	smul.u32 $0xF7A, s1;
	s8 =	simm.s32 @!p0 $0x1BF5;
	p2 =	por !p2, p0  }
0x20: {  	[sflag:s8] =	ssyncset.s32 @!p0 $0xFFFFF086;
	s6 =	sadd.s32 @!p0 s3, s7;
	s7 =	simm.s32 @!p0 $0x108  }
0x21: {  	s3 =	sadd.s32 s3, s9;
	s6 =	sadd.s32 @!p0 $0x88, s6;
	s7 =	simm.s32 @p2 $0x1082  }
0x22: {  	[simem:s7], [sflag:s8] =	dma.local @!p0 [hbm:s6], $0xF7A  }
0x23: {  	s9 =	sor.u32 $0xD0000000, s2;
	s6 =	simm.s32 $0x108;
	_ =	swait.ge @!p0 [sflag:s8], $0x0  }
0x24: {  	s3 =	sadd.s32 $0x88, s3;
	s6 =	simm.s32 @!p1 $0x1082;
	[sflag:s4] =	ssyncset.s32 $0xFFFFF086  }
0x25: {  	[simem:s6], [sflag:s4] =	dma.local [hbm:s3], $0xF7A  }
0x26: {  	[smem:$0x3F99] =	sst s1;
	(tag) =	ssettag s2;
	_ =	strace s9  }
0x27: {  	s1 =	sld [smem:$0x3FA9]  }
0x28: {  	s2 =	sld [smem:$0x3FAA]  }
0x29: {  	s4 =	sld [smem:$0x3FAC]  }
0x2a: {  	p0 =	seq.s32 s5, $0x0;
	s5 =	sld [smem:$0x3FAD]  }
0x2b: {  	s6 =	sld [smem:$0x3FAE]  }
0x2c: {  	s7 =	sld [smem:$0x3FAF]  }
0x2d: {  	s3 =	simm.s32 $0x108;
	s8 =	sld [smem:$0x3FB0]  }
0x2e: {  	s3 =	simm.s32 @!p0 $0x1082;
	s9 =	sld [smem:$0x3FB1]  }
0x2f: {  	lr =	sadd.s32 s0, s3;
	s0 =	sld [smem:$0x3FA8]  }
0x30: {  	s3 =	sld [smem:$0x3FAB]  }
0x31: {  	[smem:$0x3FB4] =	sst s10  }
0x32: {  	s10 =	sld [smem:$0x3FB2];
	_ =	sdelay $0x3  }
0x33: {  	p0 =	seq.s32 s10, $0x1;
	s10 =	sld [smem:$0x3FB4];
	_ =	sdelay $0x3  }
0x34: {  	[smem:$0x3FB4] =	sst s10  }
0x35: {  	s10 =	sld [smem:$0x3FB3];
	_ =	sdelay $0x3  }
0x36: {  	p1 =	seq.s32 s10, $0x1;
	s10 =	sld [smem:$0x3FB4];
	_ =	sdelay $0x3  }
0x37: {  	[smem:$0x3FB4] =	sst s10  }
0x38: {  	s10 =	sld [smem:$0x3FB5]  }
0x39: {  	_ = 	snop;
	(pc) =	sbr.ind lr, $3  }
0x3a: {  	_ = 	snop  }
0x3b: {  	_ = 	snop  }
0x3c: {  	p2 =	seq.s32 s10, $0x1;
	s10 =	sld [smem:$0x3FB4]  }
0x3d: {  	_ =	shalt  }
0x3e: {  	_ =	shalt  }
0x3f: {  	_ =	shalt  }
0x40: {  	_ =	shalt  }
0x41: {  	_ =	shalt  }
0x42: {  	_ =	shalt  }
0x43: {  	_ =	shalt  }
0x44: {  	_ =	shalt  }
0x45: {  	_ =	shalt  }
0x46: {  	_ =	shalt  }
0x47: {  	_ =	shalt  }
0x48: {  	_ =	shalt  }
0x49: {  	_ =	shalt  }
0x4a: {  	_ =	shalt  }
0x4b: {  	_ =	shalt  }
0x4c: {  	_ =	shalt  }
0x4d: {  	_ =	shalt  }
0x4e: {  	_ =	shalt  }
0x4f: {  	_ =	shalt  }
0x50: {  	_ =	shalt  }
0x51: {  	_ =	shalt  }
0x52: {  	_ =	shalt  }
0x53: {  	_ =	shalt  }
0x54: {  	_ =	shalt  }
0x55: {  	_ =	shalt  }
0x56: {  	_ =	shalt  }
0x57: {  	_ =	shalt  }
0x58: {  	_ =	shalt  }
0x59: {  	_ =	shalt  }
0x5a: {  	_ =	shalt  }
0x5b: {  	_ =	shalt  }
0x5c: {  	_ =	shalt  }
0x5d: {  	_ =	shalt  }
0x5e: {  	_ =	shalt  }
0x5f: {  	_ =	shalt  }
0x60: {  	_ =	shalt  }
0x61: {  	_ =	shalt  }
0x62: {  	_ =	shalt  }
0x63: {  	_ =	shalt  }
0x64: {  	_ =	shalt  }
0x65: {  	_ =	shalt  }
0x66: {  	_ =	shalt  }
0x67: {  	_ =	shalt  }
0x68: {  	_ =	shalt  }
0x69: {  	_ =	shalt  }
0x6a: {  	_ =	shalt  }
0x6b: {  	_ =	shalt  }
0x6c: {  	_ =	shalt  }
0x6d: {  	_ =	shalt  }
0x6e: {  	_ =	shalt  }
0x6f: {  	_ =	shalt  }
0x70: {  	_ =	shalt  }
0x71: {  	_ =	shalt  }
0x72: {  	_ =	shalt  }
0x73: {  	_ =	shalt  }
0x74: {  	_ =	shalt  }
0x75: {  	_ =	shalt  }
0x76: {  	_ =	shalt  }
0x77: {  	_ =	shalt  }
0x78: {  	_ =	shalt  }
0x79: {  	_ =	shalt  }
0x7a: {  	_ =	shalt  }
0x7b: {  	_ =	shalt  }
0x7c: {  	_ =	shalt  }
0x7d: {  	_ =	shalt  }
0x7e: {  	_ =	shalt  }
0x7f: {  	_ =	shalt  }
0x80: {  	_ =	shalt  }
0x81: {  	_ =	shalt  }
0x82: {  	_ =	shalt  }
0x83: {  	_ =	shalt  }
0x84: {  	_ =	shalt  }
0x85: {  	_ =	shalt  }
0x86: {  	_ =	shalt  }
0x87: {  	_ =	shalt  }
.Lfunc_end0:
.L_simem_size_0:
called_computation.3_lowered:
.L_overlay_start_0:
0x88: {  	s2 =	sld [smem:$0x3FD9]  }
0x89: {  	s3 =	sld [smem:$0x3FFE];
	_ =	sdelay $0x1  }
0x8a: {  	s1 =	srdreg.scid  }
0x8b: {  	s0 =	sand.u32 $0x1, s1  }
0x8c: {  	s17 =	sshll.u32 s0, $0xA;
	s2 =	sadd.s32 s3, s2  }
0x8d: {  	s2 =	sadd.s32 s2, s17  }
0x8e: {  	[smem:$0x3FC0] =	sst s2  }
0x8f: {  	_ = 	snop  }
0x90: {  	(tm) =	ssettm $0x1  }
0x91: {  	s18 =	sld [smem:$0x3FFB];
	_ =	sdelay $0x3  }
0x92: {  	_ =	strace s18  }
0x93: {  	s2 =	sld [smem:$0x3FFC];
	_ =	sdelay $0x3  }
0x94: {  	_ =	strace s2  }
0x95: {  	s2 =	sld [smem:$0x3FFD];
	_ =	sdelay $0x3  }
0x96: {  	_ =	strace s2  }
0x97: {  	_ =	strace $0x8FFFFFFF  }
0x98: {  	s19 =	sld [smem:$0x3FDB];
	_ =	sdelay $0x1  }
0x99: {  	s20 =	simm.s32 $_scs_section_size  }
0x9a: {  	s4 =	simm.s32 $_size__tile_overlayer_lowered;
	s5 =	simm.s32 $_tile_overlayer_lowered  }
0x9b: {  	s6 =	simm.s32 $0x1BFF;
	s21 =	sshll.u32 s5, $0x1;
	s3 =	sadd.s32 s20, s19  }
0x9c: {  	s22 =	simm.s32 $0x0;
	s4 =	sshll.u32 s4, $0x1;
	s5 =	sadd.s32 s21, s3  }
0x9d: {  	[timem:s22], [sflag:s6] =	dma.local [hbm:s5], s4  }
0x9e: {  	_ =	swait.ge [sflag:s6], s4  }
0x9f: {  	s4 =	ssub.s32 $0x0, s4;
	[sflag:s6] =	ssyncset.done $0x0  }
0xa0: {  	[sflag:s6] =	ssyncadd.s32 s4;
	_ =	sdelay $0x1  }
0xa1: {  	s23 =	simm.s32 $0x1B8B  }
0xa2: {  	_ =	swait.ge [sflag:s23], $0x1  }
0xa3: {  	[sflag:s23] =	ssyncset.done $0x0  }
0xa4: {  	[sflag:s23] =	ssyncadd.s32 $0xFFFFFFFF  }
0xa5: {  	s4 =	sld [smem:$0x0]  }
0xa6: {  	s5 =	sand.u32 $0xFFFFFFFE, s1  }
0xa7: {  	p0 =	sne.s32 s1, s5  }
0xa8: {  	s5 =	sshll.u32 @p0 s5, $0xE  }
0xa9: {  	s5 =	sadd.s32 @p0 $0x11B8D, s5;
	s6 =	sshll.u32 @p0 s4, $0x11  }
0xaa: {  	s5 =	sor.u32 @p0 s6, s5  }
0xab: {  	[sflag:s5] =	ssyncadd.remote.s32 @p0 $0x1;
	_ =	sdelay $0x1  }
0xac: {  	s5 =	simm.s32 @p0 $0x1B8D  }
0xad: {  	_ =	swait.eq @p0 [sflag:s5], $0x1  }
0xae: {  	[sflag:s5] =	ssyncadd.s32 @p0 $0xFFFFFFFF  }
0xaf: {  	s6 =	sshll.u32 @!p0 s1, $0xE  }
0xb0: {  	s6 =	sor.u32 @!p0 $0x4000, s6;
	s5 =	simm.s32 @!p0 $0x1B8D  }
0xb1: {  	s4 =	sshll.u32 @!p0 s4, $0x11;
	s6 =	sadd.s32 @!p0 $0x11B8D, s6;
	_ =	swait.eq @!p0 [sflag:s5], $0x1  }
0xb2: {  	s4 =	sor.u32 @!p0 s4, s6;
	[sflag:s5] =	ssyncadd.s32 @!p0 $0xFFFFFFFF  }
0xb3: {  	s25 =	simm.s32 $0x1B8E;
	s24 =	sld [smem:$0x3FFE];
	[sflag:s4] =	ssyncadd.remote.s32 @!p0 $0x1  }
0xb4: {  	s26 =	simm.s32 $execute0_lowered;
	[smem:$0x3FD2] =	sst s25  }
0xb5: {  	s5 =	sshll.u32 s26, $0x1;
	_ =	strace $0x8000004F;
	[dreg:$0x1] =	wrdreg $0xFFFFFFFF  }
0xb6: {  	s28 =	simm.s32 $_size_execute0_lowered;
	s3 =	sadd.s32 s3, s5;
	[dreg:$0x0] =	wrdreg $0x0  }
0xb7: {  	s5 =	sshll.u32 s28, $0x1;
	[dreg:$0x2] =	wrdreg s3  }
0xb8: {  	[dreg:$0x3] =	wrdreg s5  }
0xb9: {  	[dreg:$0x4] =	wrdreg $0xC0  }
0xba: {  	_ =	task [dreg:s22], $0x5FFFF  }
0xbb: {  	[dreg:$0x1] =	wrdreg $0xFFFFFFFF  }
0xbc: {  	[dreg:$0x0] =	wrdreg $0x60  }
0xbd: {  	[dreg:$0x2] =	wrdreg s24  }
0xbe: {  	[dreg:$0x3] =	wrdreg $0x41000  }
0xbf: {  	[dreg:$0x4] =	wrdreg $0xA  }
0xc0: {  	_ =	task.clear_ibuf [dreg:s22], $0x5FFFF;
	_ =	strace $0x9000004F  }
0xc1: {  	s29 =	simm.s32 $0xA;
	_ =	strace $0x80000051  }
0xc2: {  	_ =	swait.ge [sflag:s29], $0x1  }
0xc3: {  	[sflag:s29] =	ssyncadd.s32 $0xFFFFFFFF  }
0xc4: {  	_ =	strace $0x90000051  }
0xc5: {  	_ =	sfence  }
0xc6: {  	s30 =	sld [smem:$0x0];
	_ =	sdelay $0x2  }
0xc7: {  	s31 =	sshll.u32 s1, $0xD;
	s1 =	sshrl.u32 s1, $0x2  }
0xc8: {  	s4 =	sand.u32 $0x4000, s31;
	s1 =	sadd.s32 s1, s30  }
0xc9: {  	s0 =	sor.u32 s4, s0;
	s1 =	sshll.u32 s1, $0x11  }
0xca: {  	s0 =	sor.u32 s1, s0  }
0xcb: {  	s0 =	sadd.s32 $0x8F2B, s0  }
0xcc: {  	[sflag:s0] =	ssyncadd.remote.s32 $0x1  }
0xcd: {  	_ =	sfence.sel $0xFFFF  }
0xce: {  	[dreg:$0x0] =	wrdreg $0xFFFFFFFF;
	(pc) =	sbr.abs _section_cstart, $3  }
0xcf: {  	[dreg:$0x1] =	wrdreg $0xFFFFFFFF  }
0xd0: {  	_ =	task.clear_ibuf [dreg:s22], $0x2FFFF;
	_ =	strace $0x9FFFFFFF  }
0xd1: {  	(tm) =	ssettm $0x7FFFFFFF  }
tec
execute0_lowered:
.L_overlay_start_1:
0x0: {  	(tag) =	ssettag $0x1  }
0x1: {  	s5 =	rddreg [dreg:$0x0]  }
0x2: {  	s0 =	srdreg.scid;
	s1 =	stileid.u32  }
0x3: {  	s2 =	rddreg [dreg:$0x1];
	s3 =	simm.s32 $0x0;
	s8 =	smul.u32 $0x14000, s1  }
0x4: {  	s13 =	simm.s32 $0x100;
	s14 =	simm.s32 $0x1;
	s10 =	smul.u32 $0x50000, s1  }
0x5: {  	s6 =	sand.u32 $0x1, s0;
	s0 =	rddreg [dreg:$0x2];
	s11 =	smul.u32 $0x9E0, s1  }
0x6: {  	s15 =	simm.s32 $0x0;
	[smem:$0x7FF] =	sst s3;
	s7 =	smul.u32 $0x9E00, s6  }
0x7: {  	s4 =	sadd.s32 $0x40E00, s5;
	s9 =	smul.u32 $0x140000, s6;
	s30 =	ssub.s32 $0x2, s6  }
0x8: {  	s31 =	sshll.u32 s1, $0x6;
	_ =	strace $0x80000050;
	s6 =	sshrl.u32 s30, $0x1  }
0x9: {  	s10 =	sshrl.u32 s10, $0x2;
	s7 =	sadd.s32 s7, s5;
	s9 =	sadd.s32 s8, s9  }
0xa: {  	s8 =	sshrl.u32 s8, $0x3;
	s12 =	ssub.s32 s30, s6;
	s10 =	sadd.s32 s10, s2  }
0xb: {  	s6 =	sor.u32 $0x1C02, s31;
	s9 =	sshrl.u32 s9, $0x3;
	s8 =	sadd.s32 s8, s5  }
0xc: {  	s11 =	sadd.s32 s11, s7;
	s10 =	sshrl.u32 s10, $0x3;
	s9 =	sadd.s32 s9, s5  }
0xd: {  	s5 =	sadd.s32 $0x18E00, s8;
	s8 =	smax.u32 s12, $0x1;
	s12 =	simm.s32 $0x80  }
0xe: {  	s7 =	sadd.s32 $0xB8000, s9;
	s9 =	sadd.s32 $0x5200, s11;
	s11 =	simm.s32 $0x2  }
.LBB2_1:
0xf: {  	[spmem:s10], [sflag:s6] =	dma.local [hbm:s5], $0x2800  }
0x10: {  	_ =	swait.ge [sflag:s11], $0x2800  }
0x11: {  	[sflag:s11] =	ssyncset.done $0x0  }
0x12: {  	[sflag:s11] =	ssyncadd.s32 $0xFFFFD800  }
0x13: {  	s16 =	sadd.s32 $0x0, s9;
	[bflag:$0x0] =	sbarrier.arrive $0xFFFF  }
0x14: {  	[tilespmem:s3], [sflag:$0x2] =	stream.linear.gather [hbm4b:s16+s3], $0x100, $0x38;
	[tilespmem:$0x18100] =	vst v63  }
0x15: {  	_ =	swait.ge [sflag:s11], $0x100  }
0x16: {  	[sflag:s11] =	ssyncset.done $0x0  }
0x17: {  	[sflag:s11] =	ssyncadd.s32 $0xFFFFFF00  }
0x18: {  	[tilespmem:s13], [sflag:$0x1] =	stream.indirect.gather [hbm4b:s4+s12], $0x80, s3, s12, $0xb8;
	[tilespmem:$0x18100] =	vst v63  }
0x19: {  	_ =	swait.ge [sflag:s14], $0x4000  }
0x1a: {  	[sflag:s14] =	ssyncset.done $0x0  }
0x1b: {  	[sflag:s14] =	ssyncadd.s32 $0xFFFFC000  }
0x1c: {  	[spmem:s2] =	stream.indirect.scatter.add.f32 [tilespmem:s13], [sflag:$0x2], $0x80, s12, s12, $0xb8;
	[tilespmem:$0x18100] =	vst v63  }
0x1d: {  	_ =	swait.ge [sflag:s11], $0x4000  }
0x1e: {  	s17 =	simm.s32 $0x40;
	s16 =	simm.s32 $0x20;
	[sflag:s11] =	ssyncset.done $0x0  }
.LBB2_2:
0x1f: {  	s18 =	sadd.s32 s16, s9  }
0x20: {  	[sflag:s11] =	ssyncadd.s32 $0xFFFFC000;
	s16 =	smov.u32 s17;
	s19 =	sadd.s32 $0x20, s17  }
0x21: {  	[tilespmem:s3], [sflag:$0x2] =	stream.linear.gather [hbm4b:s18+s3], $0x100, $0x38;
	[tilespmem:$0x18100] =	vst v63  }
0x22: {  	p0 =	sne.s32 s17, $0x9C0;
	_ =	swait.ge [sflag:s11], $0x100  }
0x23: {  	[sflag:s11] =	ssyncset.done $0x0  }
0x24: {  	[sflag:s11] =	ssyncadd.s32 $0xFFFFFF00  }
0x25: {  	[tilespmem:s13], [sflag:$0x1] =	stream.indirect.gather [hbm4b:s4+s12], $0x80, s3, s12, $0xb8;
	[tilespmem:$0x18100] =	vst v63  }
0x26: {  	_ =	swait.ge [sflag:s14], $0x4000  }
.Ltmp0:
0x27: {  	[sflag:s14] =	ssyncset.done $0x0;
	(pc) =	sbr.rel @p0 .LBB2_2-.Ltmp0, $4  }
0x28: {  	[sflag:s14] =	ssyncadd.s32 $0xFFFFC000  }
0x29: {  	[spmem:s2] =	stream.indirect.scatter.add.f32 [tilespmem:s13], [sflag:$0x2], $0x80, s12, s12, $0xb8;
	[tilespmem:$0x18100] =	vst v63  }
0x2a: {  	_ =	swait.ge [sflag:s11], $0x4000  }
0x2b: {  	s17 =	smov.u32 s19;
	[sflag:s11] =	ssyncset.done $0x0  }
0x2c: {  	s16 =	sadd.s32 s16, s9;
	[sflag:s11] =	ssyncadd.s32 $0xFFFFC000  }
0x2d: {  	[tilespmem:s3], [sflag:$0x2] =	stream.linear.gather [hbm4b:s16+s3], $0x100, $0x38;
	[tilespmem:$0x18100] =	vst v63  }
0x2e: {  	_ =	swait.ge [sflag:s11], $0x100  }
0x2f: {  	[sflag:s11] =	ssyncset.done $0x0  }
0x30: {  	[sflag:s11] =	ssyncadd.s32 $0xFFFFFF00  }
0x31: {  	[tilespmem:s13], [sflag:$0x1] =	stream.indirect.gather [hbm4b:s4+s12], $0x80, s3, s12, $0xb8;
	[tilespmem:$0x18100] =	vst v63  }
0x32: {  	_ =	swait.ge [sflag:s14], $0x4000  }
0x33: {  	[sflag:s14] =	ssyncset.done $0x0  }
0x34: {  	[sflag:s14] =	ssyncadd.s32 $0xFFFFC000  }
0x35: {  	[spmem:s2] =	stream.indirect.scatter.add.f32 [tilespmem:s13], [sflag:$0x2], $0x80, s12, s12, $0xb8;
	[tilespmem:$0x18100] =	vst v63  }
0x36: {  	_ =	swait.ge [sflag:s11], $0x4000  }
0x37: {  	s15 =	sadd.s32 $0x1, s15;
	[sflag:s11] =	ssyncset.done $0x0  }
0x38: {  	p0 =	sne.s32 s15, s8;
	[sflag:s11] =	ssyncadd.s32 $0xFFFFC000  }
.Ltmp1:
0x39: {  	[bflag:$0x0] =	sbarrier.arrive $0xFFFF;
	(pc) =	sbr.rel @p0 .LBB2_1-.Ltmp1, $4  }
0x3a: {  	[hbm:s7], [sflag:s6] =	dma.local [spmem:s10], $0x2800  }
0x3b: {  	_ =	swait.ge [sflag:s11], $0x2800  }
0x3c: {  	[sflag:s11] =	ssyncset.done $0x0  }
0x3d: {  	[sflag:s11] =	ssyncadd.s32 $0xFFFFD800  }
0x3e: {  	_ =	sfence.sel $0x180000  }
0x3f: {  	[bflag:$0x0] =	sbarrier.arrive $0xFFFF  }
0x40: {  	p0 =	sne.s32 s1, $0x0;
	_ =	strace $0x90000050  }
0x41: {  	s0 =	sadd.s32 @!p0 $0x100000, s0;
	[bflag:$0x2] =	sbarrier.arrive $0xFFFF  }
0x42: {  	[sflag:s0] =	ssyncadd.tile.s32 @!p0 $0x1;
	_ =	shalt  }
.Lfunc_end2:
_tile_overlayer_lowered:
.L_overlay_start_2:
0x43: {  	(tag) =	ssettag $0x2  }
0x44: {  	s0 =	rddreg [dreg:$0x0];
	s2 =	stileid.u32  }
0x45: {  	s1 =	rddreg [dreg:$0x1];
	p0 =	sne.s32 s2, $0x0  }
0x46: {  	s3 =	rddreg [dreg:$0x2];
	[bflag:$0x3] =	sbarrier.arrive $0xFFFF;
	s2 =	simm.s32 @!p0 $0x1C02  }
0x47: {  	[timem:s3], [sflag:s2] =	dma.local @!p0 [hbm:s0], s1  }
0x48: {  	s0 =	simm.s32 @!p0 $0x2  }
0x49: {  	_ =	swait.ge @!p0 [sflag:s0], s1  }
0x4a: {  	s1 =	ssub.s32 @!p0 $0x0, s1;
	[sflag:s0] =	ssyncset.done @!p0 $0x0  }
0x4b: {  	[sflag:s0] =	ssyncadd.s32 @!p0 s1  }
0x4c: {  	[bflag:$0x3] =	sbarrier.arrive $0xFFFF  }
0x4d: {  	_ =	shalt  }

// kernel: kernel.23.cloned.1.call-start
scs
__scs_entry_jumppad:
0x0: {  	(pc) =	sbr.rel $0x88, $3  }
0x1: {  	(tag) =	ssettag $0x0;
	lr =	simm.s32 $0x1  }
0x2: {  	[smem:$0x3F99] =	sst lr;
	_ =	strace $0xD0000000  }
0x3: {  	_ = 	snop  }
0x4: {  	_ = 	snop  }
0x5: {  	_ = 	snop  }
0x6: {  	_ = 	snop  }
0x7: {  	_ = 	snop  }
__scs_overlays_trampoline_lowered:
0x8: {  	[smem:$0x3FA8] =	sst s0  }
0x9: {  	[smem:$0x3FA9] =	sst s1  }
0xa: {  	[smem:$0x3FAA] =	sst s2  }
0xb: {  	[smem:$0x3FAB] =	sst s3  }
0xc: {  	[smem:$0x3FAC] =	sst s4  }
0xd: {  	[smem:$0x3FAD] =	sst s5  }
0xe: {  	[smem:$0x3FAE] =	sst s6  }
0xf: {  	[smem:$0x3FAF] =	sst s7  }
0x10: {  	[smem:$0x3FB0] =	sst s8  }
0x11: {  	[smem:$0x3FB1] =	sst s9;
	s0 =	simm.s32 @!p0 $0x0  }
0x12: {  	s1 =	sld [smem:$0x3F97];
	s0 =	simm.s32 @p0 $0x1  }
0x13: {  	[smem:$0x3FB2] =	sst s0;
	s0 =	simm.s32 @!p1 $0x0  }
0x14: {  	s2 =	sld [smem:$0x3F96];
	s0 =	simm.s32 @p1 $0x1  }
0x15: {  	[smem:$0x3FB3] =	sst s0;
	s0 =	simm.s32 @!p2 $0x0  }
0x16: {  	s3 =	sld [smem:$0x3FDB];
	s0 =	simm.s32 @p2 $0x1  }
0x17: {  	s4 =	simm.s32 $0x1BF5;
	[smem:$0x3FB5] =	sst s0  }
0x18: {  	s0 =	sld [smem:$0x3F98];
	_ =	swait.ge [sflag:s4], $0x0  }
0x19: {  	s7 =	sld [smem:$0x3F99]  }
0x1a: {  	s8 =	sadd.s32 $0xFFFFE003, lr  }
0x1b: {  	s9 =	sadd.s32 $0xFFFFFEF7, lr;
	s5 =	simm.s32 $0xFFFFFFFF;
	p2 =	slt.u32 s8, $0xFFFFF086  }
0x1c: {  	p1 =	slt.u32 s9, $0xF7A;
	s5 =	simm.s32 @!p2 $0x0  }
0x1d: {  	s5 =	simm.s32 @p1 $0x1;
	p0 =	seq.s32 s7, s2  }
0x1e: {  	s7 =	smul.u32 @!p0 $0xF7A, s2;
	p2 =	seq.s32 @!p0 s5, $0x0  }
0x1f: {  	s9 =	smul.u32 $0xF7A, s1;
	s8 =	simm.s32 @!p0 $0x1BF5;
	p2 =	por !p2, p0  }
0x20: {  	[sflag:s8] =	ssyncset.s32 @!p0 $0xFFFFF086;
	s6 =	sadd.s32 @!p0 s3, s7;
	s7 =	simm.s32 @!p0 $0x108  }
0x21: {  	s3 =	sadd.s32 s3, s9;
	s6 =	sadd.s32 @!p0 $0x88, s6;
	s7 =	simm.s32 @p2 $0x1082  }
0x22: {  	[simem:s7], [sflag:s8] =	dma.local @!p0 [hbm:s6], $0xF7A  }
0x23: {  	s9 =	sor.u32 $0xD0000000, s2;
	s6 =	simm.s32 $0x108;
	_ =	swait.ge @!p0 [sflag:s8], $0x0  }
0x24: {  	s3 =	sadd.s32 $0x88, s3;
	s6 =	simm.s32 @!p1 $0x1082;
	[sflag:s4] =	ssyncset.s32 $0xFFFFF086  }
0x25: {  	[simem:s6], [sflag:s4] =	dma.local [hbm:s3], $0xF7A  }
0x26: {  	[smem:$0x3F99] =	sst s1;
	(tag) =	ssettag s2;
	_ =	strace s9  }
0x27: {  	s1 =	sld [smem:$0x3FA9]  }
0x28: {  	s2 =	sld [smem:$0x3FAA]  }
0x29: {  	s4 =	sld [smem:$0x3FAC]  }
0x2a: {  	p0 =	seq.s32 s5, $0x0;
	s5 =	sld [smem:$0x3FAD]  }
0x2b: {  	s6 =	sld [smem:$0x3FAE]  }
0x2c: {  	s7 =	sld [smem:$0x3FAF]  }
0x2d: {  	s3 =	simm.s32 $0x108;
	s8 =	sld [smem:$0x3FB0]  }
0x2e: {  	s3 =	simm.s32 @!p0 $0x1082;
	s9 =	sld [smem:$0x3FB1]  }
0x2f: {  	lr =	sadd.s32 s0, s3;
	s0 =	sld [smem:$0x3FA8]  }
0x30: {  	s3 =	sld [smem:$0x3FAB]  }
0x31: {  	[smem:$0x3FB4] =	sst s10  }
0x32: {  	s10 =	sld [smem:$0x3FB2];
	_ =	sdelay $0x3  }
0x33: {  	p0 =	seq.s32 s10, $0x1;
	s10 =	sld [smem:$0x3FB4];
	_ =	sdelay $0x3  }
0x34: {  	[smem:$0x3FB4] =	sst s10  }
0x35: {  	s10 =	sld [smem:$0x3FB3];
	_ =	sdelay $0x3  }
0x36: {  	p1 =	seq.s32 s10, $0x1;
	s10 =	sld [smem:$0x3FB4];
	_ =	sdelay $0x3  }
0x37: {  	[smem:$0x3FB4] =	sst s10  }
0x38: {  	s10 =	sld [smem:$0x3FB5]  }
0x39: {  	_ = 	snop;
	(pc) =	sbr.ind lr, $3  }
0x3a: {  	_ = 	snop  }
0x3b: {  	_ = 	snop  }
0x3c: {  	p2 =	seq.s32 s10, $0x1;
	s10 =	sld [smem:$0x3FB4]  }
0x3d: {  	_ =	shalt  }
0x3e: {  	_ =	shalt  }
0x3f: {  	_ =	shalt  }
0x40: {  	_ =	shalt  }
0x41: {  	_ =	shalt  }
0x42: {  	_ =	shalt  }
0x43: {  	_ =	shalt  }
0x44: {  	_ =	shalt  }
0x45: {  	_ =	shalt  }
0x46: {  	_ =	shalt  }
0x47: {  	_ =	shalt  }
0x48: {  	_ =	shalt  }
0x49: {  	_ =	shalt  }
0x4a: {  	_ =	shalt  }
0x4b: {  	_ =	shalt  }
0x4c: {  	_ =	shalt  }
0x4d: {  	_ =	shalt  }
0x4e: {  	_ =	shalt  }
0x4f: {  	_ =	shalt  }
0x50: {  	_ =	shalt  }
0x51: {  	_ =	shalt  }
0x52: {  	_ =	shalt  }
0x53: {  	_ =	shalt  }
0x54: {  	_ =	shalt  }
0x55: {  	_ =	shalt  }
0x56: {  	_ =	shalt  }
0x57: {  	_ =	shalt  }
0x58: {  	_ =	shalt  }
0x59: {  	_ =	shalt  }
0x5a: {  	_ =	shalt  }
0x5b: {  	_ =	shalt  }
0x5c: {  	_ =	shalt  }
0x5d: {  	_ =	shalt  }
0x5e: {  	_ =	shalt  }
0x5f: {  	_ =	shalt  }
0x60: {  	_ =	shalt  }
0x61: {  	_ =	shalt  }
0x62: {  	_ =	shalt  }
0x63: {  	_ =	shalt  }
0x64: {  	_ =	shalt  }
0x65: {  	_ =	shalt  }
0x66: {  	_ =	shalt  }
0x67: {  	_ =	shalt  }
0x68: {  	_ =	shalt  }
0x69: {  	_ =	shalt  }
0x6a: {  	_ =	shalt  }
0x6b: {  	_ =	shalt  }
0x6c: {  	_ =	shalt  }
0x6d: {  	_ =	shalt  }
0x6e: {  	_ =	shalt  }
0x6f: {  	_ =	shalt  }
0x70: {  	_ =	shalt  }
0x71: {  	_ =	shalt  }
0x72: {  	_ =	shalt  }
0x73: {  	_ =	shalt  }
0x74: {  	_ =	shalt  }
0x75: {  	_ =	shalt  }
0x76: {  	_ =	shalt  }
0x77: {  	_ =	shalt  }
0x78: {  	_ =	shalt  }
0x79: {  	_ =	shalt  }
0x7a: {  	_ =	shalt  }
0x7b: {  	_ =	shalt  }
0x7c: {  	_ =	shalt  }
0x7d: {  	_ =	shalt  }
0x7e: {  	_ =	shalt  }
0x7f: {  	_ =	shalt  }
0x80: {  	_ =	shalt  }
0x81: {  	_ =	shalt  }
0x82: {  	_ =	shalt  }
0x83: {  	_ =	shalt  }
0x84: {  	_ =	shalt  }
0x85: {  	_ =	shalt  }
0x86: {  	_ =	shalt  }
0x87: {  	_ =	shalt  }
.Lfunc_end0:
.L_simem_size_0:
called_computation.4_lowered:
.L_overlay_start_0:
0x88: {  	s2 =	sld [smem:$0x3FD9]  }
0x89: {  	s3 =	sld [smem:$0x3FFE];
	_ =	sdelay $0x1  }
0x8a: {  	s1 =	srdreg.scid  }
0x8b: {  	s0 =	sand.u32 $0x1, s1  }
0x8c: {  	s17 =	sshll.u32 s0, $0xA;
	s2 =	sadd.s32 s3, s2  }
0x8d: {  	s2 =	sadd.s32 s2, s17  }
0x8e: {  	[smem:$0x3FC0] =	sst s2  }
0x8f: {  	_ = 	snop  }
0x90: {  	s2 =	sld [smem:$0x3FD0];
	(tm) =	ssettm $0x1  }
0x91: {  	s18 =	sld [smem:$0x3FFB];
	_ =	sdelay $0x3  }
0x92: {  	_ =	strace s18  }
0x93: {  	s3 =	sld [smem:$0x3FFC];
	_ =	sdelay $0x3  }
0x94: {  	_ =	strace s3  }
0x95: {  	s3 =	sld [smem:$0x3FFD];
	_ =	sdelay $0x3  }
0x96: {  	_ =	strace s3  }
0x97: {  	_ =	strace $0x8FFFFFFF  }
0x98: {  	s19 =	sld [smem:$0x3FDB];
	_ =	sdelay $0x1  }
0x99: {  	s4 =	simm.s32 $_scs_section_size  }
0x9a: {  	s5 =	simm.s32 $_size__tile_overlayer_lowered;
	s6 =	simm.s32 $_tile_overlayer_lowered  }
0x9b: {  	s22 =	simm.s32 $0x1BFF;
	s21 =	sshll.u32 s6, $0x1;
	s3 =	sadd.s32 s4, s19  }
0x9c: {  	s7 =	simm.s32 $0x0;
	s20 =	sshll.u32 s5, $0x1;
	s5 =	sadd.s32 s21, s3  }
0x9d: {  	[timem:s7], [sflag:s22] =	dma.local [hbm:s5], s20  }
0x9e: {  	_ =	swait.ge [sflag:s22], s20  }
0x9f: {  	s4 =	ssub.s32 $0x0, s20;
	[sflag:s22] =	ssyncset.done $0x0  }
0xa0: {  	[sflag:s22] =	ssyncadd.s32 s4;
	_ =	sdelay $0x1  }
0xa1: {  	s23 =	simm.s32 $0x1B8B  }
0xa2: {  	_ =	swait.ge [sflag:s23], $0x1  }
0xa3: {  	[sflag:s23] =	ssyncset.done $0x0  }
0xa4: {  	s25 =	simm.s32 $0x1B8E;
	s24 =	sld [smem:$0x3FFE];
	[sflag:s23] =	ssyncadd.s32 $0xFFFFFFFF  }
0xa5: {  	s26 =	simm.s32 $execute0_lowered;
	[smem:$0x3FD2] =	sst s25  }
0xa6: {  	s5 =	sshll.u32 s26, $0x1;
	_ =	strace $0x80000052;
	[dreg:$0x1] =	wrdreg $0xFFFFFFFF  }
0xa7: {  	s28 =	simm.s32 $_size_execute0_lowered;
	s3 =	sadd.s32 s3, s5;
	[dreg:$0x0] =	wrdreg $0x0  }
0xa8: {  	s5 =	sshll.u32 s28, $0x1;
	[dreg:$0x2] =	wrdreg s3  }
0xa9: {  	[dreg:$0x3] =	wrdreg s5  }
0xaa: {  	[dreg:$0x4] =	wrdreg $0xC0  }
0xab: {  	_ =	task [dreg:s7], $0x5FFFF  }
0xac: {  	[dreg:$0x1] =	wrdreg $0xFFFFFFFF  }
0xad: {  	[dreg:$0x0] =	wrdreg $0x60  }
0xae: {  	[dreg:$0x2] =	wrdreg s2  }
0xaf: {  	[dreg:$0x3] =	wrdreg s24  }
0xb0: {  	[dreg:$0x4] =	wrdreg $0x41000  }
0xb1: {  	[dreg:$0x5] =	wrdreg $0x9  }
0xb2: {  	_ =	task.clear_ibuf [dreg:s7], $0x6FFFF;
	_ =	strace $0x90000052  }
0xb3: {  	s29 =	simm.s32 $0x9;
	_ =	strace $0x80000054  }
0xb4: {  	_ =	swait.ge [sflag:s29], $0x1  }
0xb5: {  	[sflag:s29] =	ssyncadd.s32 $0xFFFFFFFF  }
0xb6: {  	_ =	strace $0x90000054  }
0xb7: {  	_ =	sfence  }
0xb8: {  	s30 =	sld [smem:$0x0];
	_ =	sdelay $0x2  }
0xb9: {  	s31 =	sshll.u32 s1, $0xD;
	s1 =	sshrl.u32 s1, $0x2  }
0xba: {  	s3 =	sand.u32 $0x4000, s31;
	s1 =	sadd.s32 s1, s30  }
0xbb: {  	s0 =	sor.u32 s3, s0;
	s1 =	sshll.u32 s1, $0x11  }
0xbc: {  	s0 =	sor.u32 s1, s0  }
0xbd: {  	s0 =	sadd.s32 $0x8F2B, s0  }
0xbe: {  	[sflag:s0] =	ssyncadd.remote.s32 $0x1  }
0xbf: {  	_ =	sfence.sel $0xFFFF  }
0xc0: {  	[dreg:$0x0] =	wrdreg $0xFFFFFFFF;
	(pc) =	sbr.abs _section_cstart, $3  }
0xc1: {  	[dreg:$0x1] =	wrdreg $0xFFFFFFFF  }
0xc2: {  	_ =	task.clear_ibuf [dreg:s7], $0x2FFFF;
	_ =	strace $0x9FFFFFFF  }
0xc3: {  	(tm) =	ssettm $0x7FFFFFFF  }
tec
execute0_lowered:
.L_overlay_start_1:
0x0: {  	(tag) =	ssettag $0x1  }
0x1: {  	s0 =	rddreg [dreg:$0x0]  }
0x2: {  	s5 =	rddreg [dreg:$0x1]  }
0x3: {  	s1 =	srdreg.scid;
	s3 =	rddreg [dreg:$0x2]  }
0x4: {  	s2 =	rddreg [dreg:$0x3];
	s6 =	sand.u32 $0x1, s1  }
0x5: {  	s4 =	simm.s32 $0x0;
	s1 =	stileid.u32;
	s7 =	smul.u32 $0x9E00, s6  }
0x6: {  	s13 =	simm.s32 $0x100;
	s14 =	simm.s32 $0x1;
	s8 =	smul.u32 $0x14000, s1  }
0x7: {  	s15 =	simm.s32 $0x0;
	[smem:$0x7FF] =	sst s4;
	s9 =	smul.u32 $0x140000, s6  }
0x8: {  	_ =	strace $0x80000053;
	s10 =	smul.u32 $0x50000, s1;
	s30 =	ssub.s32 $0x2, s6  }
0x9: {  	s11 =	smul.u32 $0x9E0, s1;
	s31 =	sshll.u32 s1, $0x6;
	s6 =	sshrl.u32 s30, $0x1  }
0xa: {  	s7 =	sadd.s32 s7, s5;
	s9 =	sadd.s32 s8, s9;
	s8 =	sshrl.u32 s8, $0x3  }
0xb: {  	s10 =	sshrl.u32 s10, $0x2;
	s12 =	ssub.s32 s30, s6;
	s6 =	sor.u32 $0x1C02, s31  }
0xc: {  	s9 =	sshrl.u32 s9, $0x3;
	s8 =	sadd.s32 s8, s5;
	s10 =	sadd.s32 s10, s3  }
0xd: {  	s11 =	sadd.s32 s11, s7;
	s9 =	sadd.s32 s9, s5;
	s5 =	sadd.s32 $0x18E00, s8  }
0xe: {  	s8 =	smax.u32 s12, $0x1;
	s10 =	sshrl.u32 s10, $0x3;
	s12 =	simm.s32 $0x80  }
0xf: {  	s7 =	sadd.s32 $0x40E00, s9;
	s9 =	sadd.s32 $0x5200, s11;
	s11 =	simm.s32 $0x2  }
.LBB2_1:
0x10: {  	[spmem:s10], [sflag:s6] =	dma.local [hbm:s5], $0x2800  }
0x11: {  	_ =	swait.ge [sflag:s11], $0x2800  }
0x12: {  	[sflag:s11] =	ssyncset.done $0x0  }
0x13: {  	[sflag:s11] =	ssyncadd.s32 $0xFFFFD800  }
0x14: {  	s16 =	sadd.s32 $0x0, s9;
	[bflag:$0x0] =	sbarrier.arrive $0xFFFF  }
0x15: {  	[tilespmem:s4], [sflag:$0x2] =	stream.linear.gather [hbm4b:s16+s4], $0x100, $0x38;
	[tilespmem:$0x18100] =	vst v63  }
0x16: {  	_ =	swait.ge [sflag:s11], $0x100  }
0x17: {  	[sflag:s11] =	ssyncset.done $0x0  }
0x18: {  	[sflag:s11] =	ssyncadd.s32 $0xFFFFFF00  }
0x19: {  	[tilespmem:s13], [sflag:$0x1] =	stream.indirect.gather [hbm4b:s0+s12], $0x80, s4, s12, $0xb8;
	[tilespmem:$0x18100] =	vst v63  }
0x1a: {  	_ =	swait.ge [sflag:s14], $0x4000  }
0x1b: {  	[sflag:s14] =	ssyncset.done $0x0  }
0x1c: {  	[sflag:s14] =	ssyncadd.s32 $0xFFFFC000  }
0x1d: {  	[spmem:s3] =	stream.indirect.scatter.add.f32 [tilespmem:s13], [sflag:$0x2], $0x80, s12, s12, $0xb8;
	[tilespmem:$0x18100] =	vst v63  }
0x1e: {  	_ =	swait.ge [sflag:s11], $0x4000  }
0x1f: {  	s17 =	simm.s32 $0x40;
	s16 =	simm.s32 $0x20;
	[sflag:s11] =	ssyncset.done $0x0  }
.LBB2_2:
0x20: {  	s18 =	sadd.s32 s16, s9  }
0x21: {  	[sflag:s11] =	ssyncadd.s32 $0xFFFFC000;
	s16 =	smov.u32 s17;
	s19 =	sadd.s32 $0x20, s17  }
0x22: {  	[tilespmem:s4], [sflag:$0x2] =	stream.linear.gather [hbm4b:s18+s4], $0x100, $0x38;
	[tilespmem:$0x18100] =	vst v63  }
0x23: {  	p0 =	sne.s32 s17, $0x9C0;
	_ =	swait.ge [sflag:s11], $0x100  }
0x24: {  	[sflag:s11] =	ssyncset.done $0x0  }
0x25: {  	[sflag:s11] =	ssyncadd.s32 $0xFFFFFF00  }
0x26: {  	[tilespmem:s13], [sflag:$0x1] =	stream.indirect.gather [hbm4b:s0+s12], $0x80, s4, s12, $0xb8;
	[tilespmem:$0x18100] =	vst v63  }
0x27: {  	_ =	swait.ge [sflag:s14], $0x4000  }
.Ltmp0:
0x28: {  	[sflag:s14] =	ssyncset.done $0x0;
	(pc) =	sbr.rel @p0 .LBB2_2-.Ltmp0, $4  }
0x29: {  	[sflag:s14] =	ssyncadd.s32 $0xFFFFC000  }
0x2a: {  	[spmem:s3] =	stream.indirect.scatter.add.f32 [tilespmem:s13], [sflag:$0x2], $0x80, s12, s12, $0xb8;
	[tilespmem:$0x18100] =	vst v63  }
0x2b: {  	_ =	swait.ge [sflag:s11], $0x4000  }
0x2c: {  	s17 =	smov.u32 s19;
	[sflag:s11] =	ssyncset.done $0x0  }
0x2d: {  	s16 =	sadd.s32 s16, s9;
	[sflag:s11] =	ssyncadd.s32 $0xFFFFC000  }
0x2e: {  	[tilespmem:s4], [sflag:$0x2] =	stream.linear.gather [hbm4b:s16+s4], $0x100, $0x38;
	[tilespmem:$0x18100] =	vst v63  }
0x2f: {  	_ =	swait.ge [sflag:s11], $0x100  }
0x30: {  	[sflag:s11] =	ssyncset.done $0x0  }
0x31: {  	[sflag:s11] =	ssyncadd.s32 $0xFFFFFF00  }
0x32: {  	[tilespmem:s13], [sflag:$0x1] =	stream.indirect.gather [hbm4b:s0+s12], $0x80, s4, s12, $0xb8;
	[tilespmem:$0x18100] =	vst v63  }
0x33: {  	_ =	swait.ge [sflag:s14], $0x4000  }
0x34: {  	[sflag:s14] =	ssyncset.done $0x0  }
0x35: {  	[sflag:s14] =	ssyncadd.s32 $0xFFFFC000  }
0x36: {  	[spmem:s3] =	stream.indirect.scatter.add.f32 [tilespmem:s13], [sflag:$0x2], $0x80, s12, s12, $0xb8;
	[tilespmem:$0x18100] =	vst v63  }
0x37: {  	_ =	swait.ge [sflag:s11], $0x4000  }
0x38: {  	s15 =	sadd.s32 $0x1, s15;
	[sflag:s11] =	ssyncset.done $0x0  }
0x39: {  	p0 =	sne.s32 s15, s8;
	[sflag:s11] =	ssyncadd.s32 $0xFFFFC000  }
.Ltmp1:
0x3a: {  	[bflag:$0x0] =	sbarrier.arrive $0xFFFF;
	(pc) =	sbr.rel @p0 .LBB2_1-.Ltmp1, $4  }
0x3b: {  	[hbm:s7], [sflag:s6] =	dma.local [spmem:s10], $0x2800  }
0x3c: {  	_ =	swait.ge [sflag:s11], $0x2800  }
0x3d: {  	[sflag:s11] =	ssyncset.done $0x0  }
0x3e: {  	[sflag:s11] =	ssyncadd.s32 $0xFFFFD800  }
0x3f: {  	_ =	sfence.sel $0x180000  }
0x40: {  	[bflag:$0x0] =	sbarrier.arrive $0xFFFF  }
0x41: {  	p0 =	sne.s32 s1, $0x0;
	_ =	strace $0x90000053  }
0x42: {  	s0 =	sadd.s32 @!p0 $0x100000, s2;
	[bflag:$0x2] =	sbarrier.arrive $0xFFFF  }
0x43: {  	[sflag:s0] =	ssyncadd.tile.s32 @!p0 $0x1;
	_ =	shalt  }
.Lfunc_end2:
_tile_overlayer_lowered:
.L_overlay_start_2:
0x44: {  	(tag) =	ssettag $0x2  }
0x45: {  	s0 =	rddreg [dreg:$0x0];
	s2 =	stileid.u32  }
0x46: {  	s1 =	rddreg [dreg:$0x1];
	p0 =	sne.s32 s2, $0x0  }
0x47: {  	s3 =	rddreg [dreg:$0x2];
	[bflag:$0x3] =	sbarrier.arrive $0xFFFF;
	s2 =	simm.s32 @!p0 $0x1C02  }
0x48: {  	[timem:s3], [sflag:s2] =	dma.local @!p0 [hbm:s0], s1  }
0x49: {  	s0 =	simm.s32 @!p0 $0x2  }
0x4a: {  	_ =	swait.ge @!p0 [sflag:s0], s1  }
0x4b: {  	s1 =	ssub.s32 @!p0 $0x0, s1;
	[sflag:s0] =	ssyncset.done @!p0 $0x0  }
0x4c: {  	[sflag:s0] =	ssyncadd.s32 @!p0 s1  }
0x4d: {  	[bflag:$0x3] =	sbarrier.arrive $0xFFFF  }
0x4e: {  	_ =	shalt  }

</sc_bundles>
